<compile_context>
chip_gen: v7x
topology: tpu7x:2x2x1
jax: 0.10.2.dev20260603
libtpu: 0.0.44.dev20260713+nightly
codegen_flags: <defaults>
</compile_context>

<pallas_src>
import functools
import math

import jax
import jax.numpy as jnp
import numpy as np
from jax import lax
from jax.experimental import pallas as pl
from jax.experimental.pallas import tpu as pltpu
from jax.experimental.pallas import tpu_sc as plsc

D_MODEL = 128
SCALE = np.float32(math.sqrt(128.0))

NC = 2
NS = 16
NW = NC * NS
LANES = 16
W = 160
NBUF = 5


@functools.lru_cache(maxsize=None)
def _build(n_total: int):
    assert n_total % (NW * W) == 0
    b_per_w = n_total // NW
    n_chunks = b_per_w // W
    assert n_chunks % NBUF == 0 and n_chunks >= 2 * NBUF
    mesh = plsc.VectorSubcoreMesh(core_axis_name="c", subcore_axis_name="s")

    bufs_t = [pltpu.VMEM((W, D_MODEL), jnp.float32) for _ in range(NBUF)]
    gsems_t = [pltpu.SemaphoreType.DMA for _ in range(NBUF)]
    ssems_t = [pltpu.SemaphoreType.DMA for _ in range(NBUF)]

    @functools.partial(
        pl.kernel,
        mesh=mesh,
        out_type=jax.ShapeDtypeStruct((n_total, D_MODEL), jnp.float32),
        scratch_types=[pltpu.VMEM((b_per_w,), jnp.int32)]
        + bufs_t + gsems_t + ssems_t,
    )
    def emb(table_hbm, idx_hbm, out_hbm, idx_v, *rest):
        bufs = rest[:NBUF]
        gsems = rest[NBUF:2 * NBUF]
        ssems = rest[2 * NBUF:]
        wid = lax.axis_index("s") * NC + lax.axis_index("c")
        base = wid * b_per_w
        pltpu.sync_copy(idx_hbm.at[pl.ds(base, b_per_w)], idx_v)

        def start_gather(c, b):
            pltpu.async_copy(table_hbm.at[idx_v.at[pl.ds(c * W, W)]],
                             bufs[b], gsems[b])

        def wait_dma(b, sem):
            pltpu.make_async_copy(table_hbm.at[pl.ds(0, W)], bufs[b], sem).wait()

        def scale(buf):
            @pl.loop(0, W, step=2)
            def _(r):
                for rr in range(2):
                    for c in range(0, D_MODEL, LANES):
                        slc = (r + rr, pl.ds(c, LANES))
                        buf.at[slc][...] = buf.at[slc][...] * SCALE

        for b in range(NBUF):
            start_gather(b, b)

        @pl.loop(0, n_chunks, step=NBUF)
        def _(g):
            for b in range(NBUF):
                c = g + b
                wait_dma(b, gsems[b])
                scale(bufs[b])
                pltpu.async_copy(bufs[b], out_hbm.at[pl.ds(base + c * W, W)],
                                 ssems[b])

                pb = (b - 1) % NBUF
                pc = c - 1

                @pl.when((pc >= 0) & (pc + NBUF < n_chunks))
                def _():
                    wait_dma(pb, ssems[pb])
                    start_gather(pc + NBUF, pb)

        for b in range(NBUF):
            wait_dma(b, ssems[b])

    return emb


def kernel(x, table):
    b, s = x.shape
    n = b * s
    idx = x.reshape(n).astype(jnp.int32)
    out = _build(n)(table, idx)
    return out.reshape(b, s, D_MODEL)

# --- scband reference (transcript-rebuilt; emitter-appended) ---
"""Pipeline reference for scband-input-embeddings-197568495822 (READ-ONLY COPY).

The authoritative reference and input builder live on the scoring server;
editing this copy changes nothing except your own understanding.
"""

import jax, jax.numpy as jnp
import numpy as np
import math

D_MODEL = 128
VOCAB_SIZE = 1000000

def setup_inputs(seed: int = 0) -> dict:
    key = jax.random.key(seed)
    k_idx, k_tab = jax.random.split(key)
    x = jax.random.randint(k_idx, (4096, 200), 0, VOCAB_SIZE, dtype=jnp.int64)
    table = jax.random.normal(k_tab, (VOCAB_SIZE, D_MODEL), dtype=jnp.float32)
    return {"x": x, "table": table}

def reference(x, table):
    # nn.Embedding lookup followed by sqrt(d_model) scaling
    emb = jnp.take(table, x, axis=0)
    return emb * math.sqrt(D_MODEL)

if __name__ == "__main__":
    import jax
    _d = setup_inputs()
    print(jax.jit(kernel)(*tuple(_d.values())))

</pallas_src>

<mosaic_0001>
#map = affine_map<(d0, d1) -> (0, 0)>
#map1 = affine_map<(d0, d1) -> (0)>
module attributes {stable_mosaic.version = 14 : i64} {
  func.func @emb(%arg0: i32, %arg1: i32, %arg2: memref<1000000x128xf32, #tpu.memory_space<hbm>>, %arg3: memref<819200xi32, #tpu.memory_space<hbm>>, %arg4: memref<819200x128xf32, #tpu.memory_space<hbm>>, %arg5: memref<25600xi32, #tpu.memory_space<vmem>>, %arg6: memref<160x128xf32, #tpu.memory_space<vmem>>, %arg7: memref<160x128xf32, #tpu.memory_space<vmem>>, %arg8: memref<160x128xf32, #tpu.memory_space<vmem>>, %arg9: memref<160x128xf32, #tpu.memory_space<vmem>>, %arg10: memref<160x128xf32, #tpu.memory_space<vmem>>, %arg11: memref<!tpu.dma_semaphore, #tpu.memory_space<semaphore_mem>>, %arg12: memref<!tpu.dma_semaphore, #tpu.memory_space<semaphore_mem>>, %arg13: memref<!tpu.dma_semaphore, #tpu.memory_space<semaphore_mem>>, %arg14: memref<!tpu.dma_semaphore, #tpu.memory_space<semaphore_mem>>, %arg15: memref<!tpu.dma_semaphore, #tpu.memory_space<semaphore_mem>>, %arg16: memref<!tpu.dma_semaphore, #tpu.memory_space<semaphore_mem>>, %arg17: memref<!tpu.dma_semaphore, #tpu.memory_space<semaphore_mem>>, %arg18: memref<!tpu.dma_semaphore, #tpu.memory_space<semaphore_mem>>, %arg19: memref<!tpu.dma_semaphore, #tpu.memory_space<semaphore_mem>>, %arg20: memref<!tpu.dma_semaphore, #tpu.memory_space<semaphore_mem>>) attributes {dimension_semantics = [#tpu.dimension_semantics<core_parallel>, #tpu.dimension_semantics<subcore_parallel>], iteration_bounds = array<i64: 2, 16>, scalar_prefetch = 0 : i64, scratch_operands = 16 : i64, tpu.core_type = #tpu.core_type<sc_vector_subcore>, window_params = [{transform_indices = #map}, {transform_indices = #map1}, {transform_indices = #map}]} {
    %mul3A = arith.constant 2 : i32
    %mul3A_0 = arith.muli %arg1, %mul3A : i32
    %add3A = arith.addi %mul3A_0, %arg0 : i32
    %mul3A_1 = arith.constant 25600 : i32
    %mul3A_2 = arith.muli %add3A, %mul3A_1 : i32
    "tpu.region"() ({
      %run_scoped3A = tpu.sem_alloc : memref<!tpu.dma_semaphore, #tpu.memory_space<semaphore_mem>>
      %dma_start3A_60 = tpu.memref_slice %arg3[%mul3A_2] : memref<819200xi32, #tpu.memory_space<hbm>> -> memref<25600xi32, #tpu.memory_space<hbm>>
      %dma_start3A_61 = tpu.memref_slice %arg3[%mul3A_2] : memref<819200xi32, #tpu.memory_space<hbm>> -> memref<25600xi32, #tpu.memory_space<hbm>>
      tpu.enqueue_dma source(%dma_start3A_61 : memref<25600xi32, #tpu.memory_space<hbm>>) target(%arg5 : memref<25600xi32, #tpu.memory_space<vmem>>) target_semaphore(%run_scoped3A : memref<!tpu.dma_semaphore, #tpu.memory_space<semaphore_mem>>)
      %dma_wait3A_62 = tpu.memref_slice %arg3[%mul3A_2] : memref<819200xi32, #tpu.memory_space<hbm>> -> memref<25600xi32, #tpu.memory_space<hbm>>
      %dma_wait3A_63 = tpu.memref_slice %arg3[%mul3A_2] : memref<819200xi32, #tpu.memory_space<hbm>> -> memref<25600xi32, #tpu.memory_space<hbm>>
      tpu.wait_dma2 semaphore(%run_scoped3A : memref<!tpu.dma_semaphore, #tpu.memory_space<semaphore_mem>>) src(%dma_wait3A_63 : memref<25600xi32, #tpu.memory_space<hbm>>) dst(%arg5 : memref<25600xi32, #tpu.memory_space<vmem>>)
      tpu.yield
    }) : () -> ()
    %dma_start3A = arith.constant 0 : i32
    %dma_start3A_3 = tpu.memref_slice %arg5[%dma_start3A] : memref<25600xi32, #tpu.memory_space<vmem>> -> memref<160xi32, #tpu.memory_space<vmem>>
    %dma_start3A_4 = arith.constant 0 : i32
    %dma_start3A_5 = arith.constant 0 : i32
    %dma_start3A_6 = tpu.memref_slice %arg2[%dma_start3A_4, %dma_start3A_5] : memref<1000000x128xf32, #tpu.memory_space<hbm>> -> memref<1000000x128xf32, #tpu.memory_space<hbm>>
    tpu.enqueue_indirect_dma source(%dma_start3A_6 : memref<1000000x128xf32, #tpu.memory_space<hbm>>) target(%arg6 : memref<160x128xf32, #tpu.memory_space<vmem>>) offsets(%dma_start3A_3 : memref<160xi32, #tpu.memory_space<vmem>>) semaphore(%arg11 : memref<!tpu.dma_semaphore, #tpu.memory_space<semaphore_mem>>)
    %dma_start3A_7 = arith.constant 160 : i32
    %dma_start3A_8 = tpu.memref_slice %arg5[%dma_start3A_7] : memref<25600xi32, #tpu.memory_space<vmem>> -> memref<160xi32, #tpu.memory_space<vmem>>
    %dma_start3A_9 = arith.constant 0 : i32
    %dma_start3A_10 = arith.constant 0 : i32
    %dma_start3A_11 = tpu.memref_slice %arg2[%dma_start3A_9, %dma_start3A_10] : memref<1000000x128xf32, #tpu.memory_space<hbm>> -> memref<1000000x128xf32, #tpu.memory_space<hbm>>
    tpu.enqueue_indirect_dma source(%dma_start3A_11 : memref<1000000x128xf32, #tpu.memory_space<hbm>>) target(%arg7 : memref<160x128xf32, #tpu.memory_space<vmem>>) offsets(%dma_start3A_8 : memref<160xi32, #tpu.memory_space<vmem>>) semaphore(%arg12 : memref<!tpu.dma_semaphore, #tpu.memory_space<semaphore_mem>>)
    %dma_start3A_12 = arith.constant 320 : i32
    %dma_start3A_13 = tpu.memref_slice %arg5[%dma_start3A_12] : memref<25600xi32, #tpu.memory_space<vmem>> -> memref<160xi32, #tpu.memory_space<vmem>>
    %dma_start3A_14 = arith.constant 0 : i32
    %dma_start3A_15 = arith.constant 0 : i32
    %dma_start3A_16 = tpu.memref_slice %arg2[%dma_start3A_14, %dma_start3A_15] : memref<1000000x128xf32, #tpu.memory_space<hbm>> -> memref<1000000x128xf32, #tpu.memory_space<hbm>>
    tpu.enqueue_indirect_dma source(%dma_start3A_16 : memref<1000000x128xf32, #tpu.memory_space<hbm>>) target(%arg8 : memref<160x128xf32, #tpu.memory_space<vmem>>) offsets(%dma_start3A_13 : memref<160xi32, #tpu.memory_space<vmem>>) semaphore(%arg13 : memref<!tpu.dma_semaphore, #tpu.memory_space<semaphore_mem>>)
    %dma_start3A_17 = arith.constant 480 : i32
    %dma_start3A_18 = tpu.memref_slice %arg5[%dma_start3A_17] : memref<25600xi32, #tpu.memory_space<vmem>> -> memref<160xi32, #tpu.memory_space<vmem>>
    %dma_start3A_19 = arith.constant 0 : i32
    %dma_start3A_20 = arith.constant 0 : i32
    %dma_start3A_21 = tpu.memref_slice %arg2[%dma_start3A_19, %dma_start3A_20] : memref<1000000x128xf32, #tpu.memory_space<hbm>> -> memref<1000000x128xf32, #tpu.memory_space<hbm>>
    tpu.enqueue_indirect_dma source(%dma_start3A_21 : memref<1000000x128xf32, #tpu.memory_space<hbm>>) target(%arg9 : memref<160x128xf32, #tpu.memory_space<vmem>>) offsets(%dma_start3A_18 : memref<160xi32, #tpu.memory_space<vmem>>) semaphore(%arg14 : memref<!tpu.dma_semaphore, #tpu.memory_space<semaphore_mem>>)
    %dma_start3A_22 = arith.constant 640 : i32
    %dma_start3A_23 = tpu.memref_slice %arg5[%dma_start3A_22] : memref<25600xi32, #tpu.memory_space<vmem>> -> memref<160xi32, #tpu.memory_space<vmem>>
    %dma_start3A_24 = arith.constant 0 : i32
    %dma_start3A_25 = arith.constant 0 : i32
    %dma_start3A_26 = tpu.memref_slice %arg2[%dma_start3A_24, %dma_start3A_25] : memref<1000000x128xf32, #tpu.memory_space<hbm>> -> memref<1000000x128xf32, #tpu.memory_space<hbm>>
    tpu.enqueue_indirect_dma source(%dma_start3A_26 : memref<1000000x128xf32, #tpu.memory_space<hbm>>) target(%arg10 : memref<160x128xf32, #tpu.memory_space<vmem>>) offsets(%dma_start3A_23 : memref<160xi32, #tpu.memory_space<vmem>>) semaphore(%arg15 : memref<!tpu.dma_semaphore, #tpu.memory_space<semaphore_mem>>)
    %scan3A = arith.constant 0 : i32
    %scan3A_27 = arith.constant 32 : i32
    %scan3A_28 = arith.addi %scan3A, %scan3A_27 : i32
    %scan3A_29 = arith.constant 1 : i32
    scf.for %scan3A_60 = %scan3A to %scan3A_28 step %scan3A_29  : i32 {
      %mul3A_61 = arith.constant 5 : i32
      %mul3A_62 = arith.muli %scan3A_60, %mul3A_61 : i32
      %add3A_63 = arith.constant 0 : i32
      %add3A_64 = arith.addi %add3A_63, %mul3A_62 : i32
      %add3A_65 = arith.constant 0 : i32
      %add3A_66 = arith.addi %add3A_64, %add3A_65 : i32
      %dma_wait3A_67 = arith.constant 0 : i32
      %dma_wait3A_68 = arith.constant 0 : i32
      %dma_wait3A_69 = tpu.memref_slice %arg2[%dma_wait3A_67, %dma_wait3A_68] : memref<1000000x128xf32, #tpu.memory_space<hbm>> -> memref<160x128xf32, #tpu.memory_space<hbm>>
      %dma_wait3A_70 = arith.constant 0 : i32
      %dma_wait3A_71 = arith.constant 0 : i32
      %dma_wait3A_72 = tpu.memref_slice %arg2[%dma_wait3A_70, %dma_wait3A_71] : memref<1000000x128xf32, #tpu.memory_space<hbm>> -> memref<160x128xf32, #tpu.memory_space<hbm>>
      tpu.wait_dma2 semaphore(%arg11 : memref<!tpu.dma_semaphore, #tpu.memory_space<semaphore_mem>>) src(%dma_wait3A_72 : memref<160x128xf32, #tpu.memory_space<hbm>>) dst(%arg6 : memref<160x128xf32, #tpu.memory_space<vmem>>)
      %scan3A_73 = arith.constant 0 : i32
      %scan3A_74 = arith.constant 80 : i32
      %scan3A_75 = arith.addi %scan3A_73, %scan3A_74 : i32
      %scan3A_76 = arith.constant 1 : i32
      scf.for %scan3A_219 = %scan3A_73 to %scan3A_75 step %scan3A_76  : i32 {
        %mul3A_220 = arith.constant 2 : i32
        %mul3A_221 = arith.muli %scan3A_219, %mul3A_220 : i32
        %add3A_222 = arith.constant 0 : i32
        %add3A_223 = arith.addi %add3A_222, %mul3A_221 : i32
        %add3A_224 = arith.constant 0 : i32
        %add3A_225 = arith.addi %add3A_223, %add3A_224 : i32
        %get3A = arith.index_cast %add3A_225 : i32 to index
        %get3A_226 = arith.constant 0 : index
        %get3A_227 = tpu.vector_load %arg6[%get3A, %get3A_226] {strides = array<i32>} : memref<160x128xf32, #tpu.memory_space<vmem>>, vector<1x16xf32>,
        %get3A_228 = vector.shape_cast %get3A_227 : vector<1x16xf32> to vector<16xf32>
        %mul3A_229 = arith.constant 11.3137083 : f32
        %mul3A_230 = vector.broadcast %mul3A_229 : f32 to vector<16xf32>
        %mul3A_231 = arith.mulf %get3A_228, %mul3A_230 : vector<16xf32>
        %swap3A = arith.index_cast %add3A_225 : i32 to index
        %swap3A_232 = arith.constant 0 : index
        %swap3A_233 = tpu.vector_load %arg6[%swap3A, %swap3A_232] {strides = array<i32>} : memref<160x128xf32, #tpu.memory_space<vmem>>, vector<1x16xf32>,
        %swap3A_234 = vector.shape_cast %swap3A_233 : vector<1x16xf32> to vector<16xf32>
        %swap3A_235 = vector.shape_cast %mul3A_231 : vector<16xf32> to vector<1x16xf32>
        tpu.vector_store %arg6[%swap3A, %swap3A_232], %swap3A_235 {strides = array<i32>} : memref<160x128xf32, #tpu.memory_space<vmem>>, vector<1x16xf32>,
        %add3A_236 = arith.constant 0 : i32
        %add3A_237 = arith.addi %add3A_223, %add3A_236 : i32
        %get3A_238 = arith.index_cast %add3A_237 : i32 to index
        %get3A_239 = arith.constant 16 : index
        %get3A_240 = tpu.vector_load %arg6[%get3A_238, %get3A_239] {strides = array<i32>} : memref<160x128xf32, #tpu.memory_space<vmem>>, vector<1x16xf32>,
        %get3A_241 = vector.shape_cast %get3A_240 : vector<1x16xf32> to vector<16xf32>
        %mul3A_242 = arith.constant 11.3137083 : f32
        %mul3A_243 = vector.broadcast %mul3A_242 : f32 to vector<16xf32>
        %mul3A_244 = arith.mulf %get3A_241, %mul3A_243 : vector<16xf32>
        %swap3A_245 = arith.index_cast %add3A_237 : i32 to index
        %swap3A_246 = arith.constant 16 : index
        %swap3A_247 = tpu.vector_load %arg6[%swap3A_245, %swap3A_246] {strides = array<i32>} : memref<160x128xf32, #tpu.memory_space<vmem>>, vector<1x16xf32>,
        %swap3A_248 = vector.shape_cast %swap3A_247 : vector<1x16xf32> to vector<16xf32>
        %swap3A_249 = vector.shape_cast %mul3A_244 : vector<16xf32> to vector<1x16xf32>
        tpu.vector_store %arg6[%swap3A_245, %swap3A_246], %swap3A_249 {strides = array<i32>} : memref<160x128xf32, #tpu.memory_space<vmem>>, vector<1x16xf32>,
        %add3A_250 = arith.constant 0 : i32
        %add3A_251 = arith.addi %add3A_223, %add3A_250 : i32
        %get3A_252 = arith.index_cast %add3A_251 : i32 to index
        %get3A_253 = arith.constant 32 : index
        %get3A_254 = tpu.vector_load %arg6[%get3A_252, %get3A_253] {strides = array<i32>} : memref<160x128xf32, #tpu.memory_space<vmem>>, vector<1x16xf32>,
        %get3A_255 = vector.shape_cast %get3A_254 : vector<1x16xf32> to vector<16xf32>
        %mul3A_256 = arith.constant 11.3137083 : f32
        %mul3A_257 = vector.broadcast %mul3A_256 : f32 to vector<16xf32>
        %mul3A_258 = arith.mulf %get3A_255, %mul3A_257 : vector<16xf32>
        %swap3A_259 = arith.index_cast %add3A_251 : i32 to index
        %swap3A_260 = arith.constant 32 : index
        %swap3A_261 = tpu.vector_load %arg6[%swap3A_259, %swap3A_260] {strides = array<i32>} : memref<160x128xf32, #tpu.memory_space<vmem>>, vector<1x16xf32>,
        %swap3A_262 = vector.shape_cast %swap3A_261 : vector<1x16xf32> to vector<16xf32>
        %swap3A_263 = vector.shape_cast %mul3A_258 : vector<16xf32> to vector<1x16xf32>
        tpu.vector_store %arg6[%swap3A_259, %swap3A_260], %swap3A_263 {strides = array<i32>} : memref<160x128xf32, #tpu.memory_space<vmem>>, vector<1x16xf32>,
        %add3A_264 = arith.constant 0 : i32
        %add3A_265 = arith.addi %add3A_223, %add3A_264 : i32
        %get3A_266 = arith.index_cast %add3A_265 : i32 to index
        %get3A_267 = arith.constant 48 : index
        %get3A_268 = tpu.vector_load %arg6[%get3A_266, %get3A_267] {strides = array<i32>} : memref<160x128xf32, #tpu.memory_space<vmem>>, vector<1x16xf32>,
        %get3A_269 = vector.shape_cast %get3A_268 : vector<1x16xf32> to vector<16xf32>
        %mul3A_270 = arith.constant 11.3137083 : f32
        %mul3A_271 = vector.broadcast %mul3A_270 : f32 to vector<16xf32>
        %mul3A_272 = arith.mulf %get3A_269, %mul3A_271 : vector<16xf32>
        %swap3A_273 = arith.index_cast %add3A_265 : i32 to index
        %swap3A_274 = arith.constant 48 : index
        %swap3A_275 = tpu.vector_load %arg6[%swap3A_273, %swap3A_274] {strides = array<i32>} : memref<160x128xf32, #tpu.memory_space<vmem>>, vector<1x16xf32>,
        %swap3A_276 = vector.shape_cast %swap3A_275 : vector<1x16xf32> to vector<16xf32>
        %swap3A_277 = vector.shape_cast %mul3A_272 : vector<16xf32> to vector<1x16xf32>
        tpu.vector_store %arg6[%swap3A_273, %swap3A_274], %swap3A_277 {strides = array<i32>} : memref<160x128xf32, #tpu.memory_space<vmem>>, vector<1x16xf32>,
        %add3A_278 = arith.constant 0 : i32
        %add3A_279 = arith.addi %add3A_223, %add3A_278 : i32
        %get3A_280 = arith.index_cast %add3A_279 : i32 to index
        %get3A_281 = arith.constant 64 : index
        %get3A_282 = tpu.vector_load %arg6[%get3A_280, %get3A_281] {strides = array<i32>} : memref<160x128xf32, #tpu.memory_space<vmem>>, vector<1x16xf32>,
        %get3A_283 = vector.shape_cast %get3A_282 : vector<1x16xf32> to vector<16xf32>
        %mul3A_284 = arith.constant 11.3137083 : f32
        %mul3A_285 = vector.broadcast %mul3A_284 : f32 to vector<16xf32>
        %mul3A_286 = arith.mulf %get3A_283, %mul3A_285 : vector<16xf32>
        %swap3A_287 = arith.index_cast %add3A_279 : i32 to index
        %swap3A_288 = arith.constant 64 : index
        %swap3A_289 = tpu.vector_load %arg6[%swap3A_287, %swap3A_288] {strides = array<i32>} : memref<160x128xf32, #tpu.memory_space<vmem>>, vector<1x16xf32>,
        %swap3A_290 = vector.shape_cast %swap3A_289 : vector<1x16xf32> to vector<16xf32>
        %swap3A_291 = vector.shape_cast %mul3A_286 : vector<16xf32> to vector<1x16xf32>
        tpu.vector_store %arg6[%swap3A_287, %swap3A_288], %swap3A_291 {strides = array<i32>} : memref<160x128xf32, #tpu.memory_space<vmem>>, vector<1x16xf32>,
        %add3A_292 = arith.constant 0 : i32
        %add3A_293 = arith.addi %add3A_223, %add3A_292 : i32
        %get3A_294 = arith.index_cast %add3A_293 : i32 to index
        %get3A_295 = arith.constant 80 : index
        %get3A_296 = tpu.vector_load %arg6[%get3A_294, %get3A_295] {strides = array<i32>} : memref<160x128xf32, #tpu.memory_space<vmem>>, vector<1x16xf32>,
        %get3A_297 = vector.shape_cast %get3A_296 : vector<1x16xf32> to vector<16xf32>
        %mul3A_298 = arith.constant 11.3137083 : f32
        %mul3A_299 = vector.broadcast %mul3A_298 : f32 to vector<16xf32>
        %mul3A_300 = arith.mulf %get3A_297, %mul3A_299 : vector<16xf32>
        %swap3A_301 = arith.index_cast %add3A_293 : i32 to index
        %swap3A_302 = arith.constant 80 : index
        %swap3A_303 = tpu.vector_load %arg6[%swap3A_301, %swap3A_302] {strides = array<i32>} : memref<160x128xf32, #tpu.memory_space<vmem>>, vector<1x16xf32>,
        %swap3A_304 = vector.shape_cast %swap3A_303 : vector<1x16xf32> to vector<16xf32>
        %swap3A_305 = vector.shape_cast %mul3A_300 : vector<16xf32> to vector<1x16xf32>
        tpu.vector_store %arg6[%swap3A_301, %swap3A_302], %swap3A_305 {strides = array<i32>} : memref<160x128xf32, #tpu.memory_space<vmem>>, vector<1x16xf32>,
        %add3A_306 = arith.constant 0 : i32
        %add3A_307 = arith.addi %add3A_223, %add3A_306 : i32
        %get3A_308 = arith.index_cast %add3A_307 : i32 to index
        %get3A_309 = arith.constant 96 : index
        %get3A_310 = tpu.vector_load %arg6[%get3A_308, %get3A_309] {strides = array<i32>} : memref<160x128xf32, #tpu.memory_space<vmem>>, vector<1x16xf32>,
        %get3A_311 = vector.shape_cast %get3A_310 : vector<1x16xf32> to vector<16xf32>
        %mul3A_312 = arith.constant 11.3137083 : f32
        %mul3A_313 = vector.broadcast %mul3A_312 : f32 to vector<16xf32>
        %mul3A_314 = arith.mulf %get3A_311, %mul3A_313 : vector<16xf32>
        %swap3A_315 = arith.index_cast %add3A_307 : i32 to index
        %swap3A_316 = arith.constant 96 : index
        %swap3A_317 = tpu.vector_load %arg6[%swap3A_315, %swap3A_316] {strides = array<i32>} : memref<160x128xf32, #tpu.memory_space<vmem>>, vector<1x16xf32>,
        %swap3A_318 = vector.shape_cast %swap3A_317 : vector<1x16xf32> to vector<16xf32>
        %swap3A_319 = vector.shape_cast %mul3A_314 : vector<16xf32> to vector<1x16xf32>
        tpu.vector_store %arg6[%swap3A_315, %swap3A_316], %swap3A_319 {strides = array<i32>} : memref<160x128xf32, #tpu.memory_space<vmem>>, vector<1x16xf32>,
        %add3A_320 = arith.constant 0 : i32
        %add3A_321 = arith.addi %add3A_223, %add3A_320 : i32
        %get3A_322 = arith.index_cast %add3A_321 : i32 to index
        %get3A_323 = arith.constant 112 : index
        %get3A_324 = tpu.vector_load %arg6[%get3A_322, %get3A_323] {strides = array<i32>} : memref<160x128xf32, #tpu.memory_space<vmem>>, vector<1x16xf32>,
        %get3A_325 = vector.shape_cast %get3A_324 : vector<1x16xf32> to vector<16xf32>
        %mul3A_326 = arith.constant 11.3137083 : f32
        %mul3A_327 = vector.broadcast %mul3A_326 : f32 to vector<16xf32>
        %mul3A_328 = arith.mulf %get3A_325, %mul3A_327 : vector<16xf32>
        %swap3A_329 = arith.index_cast %add3A_321 : i32 to index
        %swap3A_330 = arith.constant 112 : index
        %swap3A_331 = tpu.vector_load %arg6[%swap3A_329, %swap3A_330] {strides = array<i32>} : memref<160x128xf32, #tpu.memory_space<vmem>>, vector<1x16xf32>,
        %swap3A_332 = vector.shape_cast %swap3A_331 : vector<1x16xf32> to vector<16xf32>
        %swap3A_333 = vector.shape_cast %mul3A_328 : vector<16xf32> to vector<1x16xf32>
        tpu.vector_store %arg6[%swap3A_329, %swap3A_330], %swap3A_333 {strides = array<i32>} : memref<160x128xf32, #tpu.memory_space<vmem>>, vector<1x16xf32>,
        %add3A_334 = arith.constant 1 : i32
        %add3A_335 = arith.addi %add3A_223, %add3A_334 : i32
        %get3A_336 = arith.index_cast %add3A_335 : i32 to index
        %get3A_337 = arith.constant 0 : index
        %get3A_338 = tpu.vector_load %arg6[%get3A_336, %get3A_337] {strides = array<i32>} : memref<160x128xf32, #tpu.memory_space<vmem>>, vector<1x16xf32>,
        %get3A_339 = vector.shape_cast %get3A_338 : vector<1x16xf32> to vector<16xf32>
        %mul3A_340 = arith.constant 11.3137083 : f32
        %mul3A_341 = vector.broadcast %mul3A_340 : f32 to vector<16xf32>
        %mul3A_342 = arith.mulf %get3A_339, %mul3A_341 : vector<16xf32>
        %swap3A_343 = arith.index_cast %add3A_335 : i32 to index
        %swap3A_344 = arith.constant 0 : index
        %swap3A_345 = tpu.vector_load %arg6[%swap3A_343, %swap3A_344] {strides = array<i32>} : memref<160x128xf32, #tpu.memory_space<vmem>>, vector<1x16xf32>,
        %swap3A_346 = vector.shape_cast %swap3A_345 : vector<1x16xf32> to vector<16xf32>
        %swap3A_347 = vector.shape_cast %mul3A_342 : vector<16xf32> to vector<1x16xf32>
        tpu.vector_store %arg6[%swap3A_343, %swap3A_344], %swap3A_347 {strides = array<i32>} : memref<160x128xf32, #tpu.memory_space<vmem>>, vector<1x16xf32>,
        %add3A_348 = arith.constant 1 : i32
        %add3A_349 = arith.addi %add3A_223, %add3A_348 : i32
        %get3A_350 = arith.index_cast %add3A_349 : i32 to index
        %get3A_351 = arith.constant 16 : index
        %get3A_352 = tpu.vector_load %arg6[%get3A_350, %get3A_351] {strides = array<i32>} : memref<160x128xf32, #tpu.memory_space<vmem>>, vector<1x16xf32>,
        %get3A_353 = vector.shape_cast %get3A_352 : vector<1x16xf32> to vector<16xf32>
        %mul3A_354 = arith.constant 11.3137083 : f32
        %mul3A_355 = vector.broadcast %mul3A_354 : f32 to vector<16xf32>
        %mul3A_356 = arith.mulf %get3A_353, %mul3A_355 : vector<16xf32>
        %swap3A_357 = arith.index_cast %add3A_349 : i32 to index
        %swap3A_358 = arith.constant 16 : index
        %swap3A_359 = tpu.vector_load %arg6[%swap3A_357, %swap3A_358] {strides = array<i32>} : memref<160x128xf32, #tpu.memory_space<vmem>>, vector<1x16xf32>,
        %swap3A_360 = vector.shape_cast %swap3A_359 : vector<1x16xf32> to vector<16xf32>
        %swap3A_361 = vector.shape_cast %mul3A_356 : vector<16xf32> to vector<1x16xf32>
        tpu.vector_store %arg6[%swap3A_357, %swap3A_358], %swap3A_361 {strides = array<i32>} : memref<160x128xf32, #tpu.memory_space<vmem>>, vector<1x16xf32>,
        %add3A_362 = arith.constant 1 : i32
        %add3A_363 = arith.addi %add3A_223, %add3A_362 : i32
        %get3A_364 = arith.index_cast %add3A_363 : i32 to index
        %get3A_365 = arith.constant 32 : index
        %get3A_366 = tpu.vector_load %arg6[%get3A_364, %get3A_365] {strides = array<i32>} : memref<160x128xf32, #tpu.memory_space<vmem>>, vector<1x16xf32>,
        %get3A_367 = vector.shape_cast %get3A_366 : vector<1x16xf32> to vector<16xf32>
        %mul3A_368 = arith.constant 11.3137083 : f32
        %mul3A_369 = vector.broadcast %mul3A_368 : f32 to vector<16xf32>
        %mul3A_370 = arith.mulf %get3A_367, %mul3A_369 : vector<16xf32>
        %swap3A_371 = arith.index_cast %add3A_363 : i32 to index
        %swap3A_372 = arith.constant 32 : index
        %swap3A_373 = tpu.vector_load %arg6[%swap3A_371, %swap3A_372] {strides = array<i32>} : memref<160x128xf32, #tpu.memory_space<vmem>>, vector<1x16xf32>,
        %swap3A_374 = vector.shape_cast %swap3A_373 : vector<1x16xf32> to vector<16xf32>
        %swap3A_375 = vector.shape_cast %mul3A_370 : vector<16xf32> to vector<1x16xf32>
        tpu.vector_store %arg6[%swap3A_371, %swap3A_372], %swap3A_375 {strides = array<i32>} : memref<160x128xf32, #tpu.memory_space<vmem>>, vector<1x16xf32>,
        %add3A_376 = arith.constant 1 : i32
        %add3A_377 = arith.addi %add3A_223, %add3A_376 : i32
        %get3A_378 = arith.index_cast %add3A_377 : i32 to index
        %get3A_379 = arith.constant 48 : index
        %get3A_380 = tpu.vector_load %arg6[%get3A_378, %get3A_379] {strides = array<i32>} : memref<160x128xf32, #tpu.memory_space<vmem>>, vector<1x16xf32>,
        %get3A_381 = vector.shape_cast %get3A_380 : vector<1x16xf32> to vector<16xf32>
        %mul3A_382 = arith.constant 11.3137083 : f32
        %mul3A_383 = vector.broadcast %mul3A_382 : f32 to vector<16xf32>
        %mul3A_384 = arith.mulf %get3A_381, %mul3A_383 : vector<16xf32>
        %swap3A_385 = arith.index_cast %add3A_377 : i32 to index
        %swap3A_386 = arith.constant 48 : index
        %swap3A_387 = tpu.vector_load %arg6[%swap3A_385, %swap3A_386] {strides = array<i32>} : memref<160x128xf32, #tpu.memory_space<vmem>>, vector<1x16xf32>,
        %swap3A_388 = vector.shape_cast %swap3A_387 : vector<1x16xf32> to vector<16xf32>
        %swap3A_389 = vector.shape_cast %mul3A_384 : vector<16xf32> to vector<1x16xf32>
        tpu.vector_store %arg6[%swap3A_385, %swap3A_386], %swap3A_389 {strides = array<i32>} : memref<160x128xf32, #tpu.memory_space<vmem>>, vector<1x16xf32>,
        %add3A_390 = arith.constant 1 : i32
        %add3A_391 = arith.addi %add3A_223, %add3A_390 : i32
        %get3A_392 = arith.index_cast %add3A_391 : i32 to index
        %get3A_393 = arith.constant 64 : index
        %get3A_394 = tpu.vector_load %arg6[%get3A_392, %get3A_393] {strides = array<i32>} : memref<160x128xf32, #tpu.memory_space<vmem>>, vector<1x16xf32>,
        %get3A_395 = vector.shape_cast %get3A_394 : vector<1x16xf32> to vector<16xf32>
        %mul3A_396 = arith.constant 11.3137083 : f32
        %mul3A_397 = vector.broadcast %mul3A_396 : f32 to vector<16xf32>
        %mul3A_398 = arith.mulf %get3A_395, %mul3A_397 : vector<16xf32>
        %swap3A_399 = arith.index_cast %add3A_391 : i32 to index
        %swap3A_400 = arith.constant 64 : index
        %swap3A_401 = tpu.vector_load %arg6[%swap3A_399, %swap3A_400] {strides = array<i32>} : memref<160x128xf32, #tpu.memory_space<vmem>>, vector<1x16xf32>,
        %swap3A_402 = vector.shape_cast %swap3A_401 : vector<1x16xf32> to vector<16xf32>
        %swap3A_403 = vector.shape_cast %mul3A_398 : vector<16xf32> to vector<1x16xf32>
        tpu.vector_store %arg6[%swap3A_399, %swap3A_400], %swap3A_403 {strides = array<i32>} : memref<160x128xf32, #tpu.memory_space<vmem>>, vector<1x16xf32>,
        %add3A_404 = arith.constant 1 : i32
        %add3A_405 = arith.addi %add3A_223, %add3A_404 : i32
        %get3A_406 = arith.index_cast %add3A_405 : i32 to index
        %get3A_407 = arith.constant 80 : index
        %get3A_408 = tpu.vector_load %arg6[%get3A_406, %get3A_407] {strides = array<i32>} : memref<160x128xf32, #tpu.memory_space<vmem>>, vector<1x16xf32>,
        %get3A_409 = vector.shape_cast %get3A_408 : vector<1x16xf32> to vector<16xf32>
        %mul3A_410 = arith.constant 11.3137083 : f32
        %mul3A_411 = vector.broadcast %mul3A_410 : f32 to vector<16xf32>
        %mul3A_412 = arith.mulf %get3A_409, %mul3A_411 : vector<16xf32>
        %swap3A_413 = arith.index_cast %add3A_405 : i32 to index
        %swap3A_414 = arith.constant 80 : index
        %swap3A_415 = tpu.vector_load %arg6[%swap3A_413, %swap3A_414] {strides = array<i32>} : memref<160x128xf32, #tpu.memory_space<vmem>>, vector<1x16xf32>,
        %swap3A_416 = vector.shape_cast %swap3A_415 : vector<1x16xf32> to vector<16xf32>
        %swap3A_417 = vector.shape_cast %mul3A_412 : vector<16xf32> to vector<1x16xf32>
        tpu.vector_store %arg6[%swap3A_413, %swap3A_414], %swap3A_417 {strides = array<i32>} : memref<160x128xf32, #tpu.memory_space<vmem>>, vector<1x16xf32>,
        %add3A_418 = arith.constant 1 : i32
        %add3A_419 = arith.addi %add3A_223, %add3A_418 : i32
        %get3A_420 = arith.index_cast %add3A_419 : i32 to index
        %get3A_421 = arith.constant 96 : index
        %get3A_422 = tpu.vector_load %arg6[%get3A_420, %get3A_421] {strides = array<i32>} : memref<160x128xf32, #tpu.memory_space<vmem>>, vector<1x16xf32>,
        %get3A_423 = vector.shape_cast %get3A_422 : vector<1x16xf32> to vector<16xf32>
        %mul3A_424 = arith.constant 11.3137083 : f32
        %mul3A_425 = vector.broadcast %mul3A_424 : f32 to vector<16xf32>
        %mul3A_426 = arith.mulf %get3A_423, %mul3A_425 : vector<16xf32>
        %swap3A_427 = arith.index_cast %add3A_419 : i32 to index
        %swap3A_428 = arith.constant 96 : index
        %swap3A_429 = tpu.vector_load %arg6[%swap3A_427, %swap3A_428] {strides = array<i32>} : memref<160x128xf32, #tpu.memory_space<vmem>>, vector<1x16xf32>,
        %swap3A_430 = vector.shape_cast %swap3A_429 : vector<1x16xf32> to vector<16xf32>
        %swap3A_431 = vector.shape_cast %mul3A_426 : vector<16xf32> to vector<1x16xf32>
        tpu.vector_store %arg6[%swap3A_427, %swap3A_428], %swap3A_431 {strides = array<i32>} : memref<160x128xf32, #tpu.memory_space<vmem>>, vector<1x16xf32>,
        %add3A_432 = arith.constant 1 : i32
        %add3A_433 = arith.addi %add3A_223, %add3A_432 : i32
        %get3A_434 = arith.index_cast %add3A_433 : i32 to index
        %get3A_435 = arith.constant 112 : index
        %get3A_436 = tpu.vector_load %arg6[%get3A_434, %get3A_435] {strides = array<i32>} : memref<160x128xf32, #tpu.memory_space<vmem>>, vector<1x16xf32>,
        %get3A_437 = vector.shape_cast %get3A_436 : vector<1x16xf32> to vector<16xf32>
        %mul3A_438 = arith.constant 11.3137083 : f32
        %mul3A_439 = vector.broadcast %mul3A_438 : f32 to vector<16xf32>
        %mul3A_440 = arith.mulf %get3A_437, %mul3A_439 : vector<16xf32>
        %swap3A_441 = arith.index_cast %add3A_433 : i32 to index
        %swap3A_442 = arith.constant 112 : index
        %swap3A_443 = tpu.vector_load %arg6[%swap3A_441, %swap3A_442] {strides = array<i32>} : memref<160x128xf32, #tpu.memory_space<vmem>>, vector<1x16xf32>,
        %swap3A_444 = vector.shape_cast %swap3A_443 : vector<1x16xf32> to vector<16xf32>
        %swap3A_445 = vector.shape_cast %mul3A_440 : vector<16xf32> to vector<1x16xf32>
        tpu.vector_store %arg6[%swap3A_441, %swap3A_442], %swap3A_445 {strides = array<i32>} : memref<160x128xf32, #tpu.memory_space<vmem>>, vector<1x16xf32>,
      }
      %scan3A_77 = arith.constant 80 : i32
      %mul3A_78 = arith.constant 160 : i32
      %mul3A_79 = arith.muli %add3A_66, %mul3A_78 : i32
      %add3A_80 = arith.addi %mul3A_2, %mul3A_79 : i32
      %dma_start3A_81 = arith.constant 0 : i32
      %dma_start3A_82 = tpu.memref_slice %arg4[%add3A_80, %dma_start3A_81] : memref<819200x128xf32, #tpu.memory_space<hbm>> -> memref<160x128xf32, #tpu.memory_space<hbm>>
      %dma_start3A_83 = arith.constant 0 : i32
      %dma_start3A_84 = tpu.memref_slice %arg4[%add3A_80, %dma_start3A_83] : memref<819200x128xf32, #tpu.memory_space<hbm>> -> memref<160x128xf32, #tpu.memory_space<hbm>>
      tpu.enqueue_dma source(%arg6 : memref<160x128xf32, #tpu.memory_space<vmem>>) target(%dma_start3A_84 : memref<160x128xf32, #tpu.memory_space<hbm>>) target_semaphore(%arg16 : memref<!tpu.dma_semaphore, #tpu.memory_space<semaphore_mem>>)
      %sub3A = arith.constant 1 : i32
      %sub3A_85 = arith.subi %add3A_66, %sub3A : i32
      %ge3A = arith.constant 0 : i32
      %ge3A_86 = arith.cmpi sge, %sub3A_85, %ge3A : i32
      %add3A_87 = arith.constant 5 : i32
      %add3A_88 = arith.addi %sub3A_85, %add3A_87 : i32
      %lt3A = arith.constant 160 : i32
      %lt3A_89 = arith.cmpi slt, %add3A_88, %lt3A : i32
      %and3A = arith.andi %ge3A_86, %lt3A_89 : i1
      %convert_element_type3A = arith.extui %and3A : i1 to i32
      %cond3A = arith.constant 0 : i32
      %cond3A_90 = arith.cmpi ne, %convert_element_type3A, %cond3A : i32
      scf.if %cond3A_90 {
        %dma_wait3A_219 = arith.constant 0 : i32
        %dma_wait3A_220 = arith.constant 0 : i32
        %dma_wait3A_221 = tpu.memref_slice %arg2[%dma_wait3A_219, %dma_wait3A_220] : memref<1000000x128xf32, #tpu.memory_space<hbm>> -> memref<160x128xf32, #tpu.memory_space<hbm>>
        %dma_wait3A_222 = arith.constant 0 : i32
        %dma_wait3A_223 = arith.constant 0 : i32
        %dma_wait3A_224 = tpu.memref_slice %arg2[%dma_wait3A_222, %dma_wait3A_223] : memref<1000000x128xf32, #tpu.memory_space<hbm>> -> memref<160x128xf32, #tpu.memory_space<hbm>>
        tpu.wait_dma2 semaphore(%arg20 : memref<!tpu.dma_semaphore, #tpu.memory_space<semaphore_mem>>) src(%dma_wait3A_224 : memref<160x128xf32, #tpu.memory_space<hbm>>) dst(%arg10 : memref<160x128xf32, #tpu.memory_space<vmem>>)
        %add3A_225 = arith.constant 5 : i32
        %add3A_226 = arith.addi %sub3A_85, %add3A_225 : i32
        %mul3A_227 = arith.constant 160 : i32
        %mul3A_228 = arith.muli %add3A_226, %mul3A_227 : i32
        %dma_start3A_229 = tpu.memref_slice %arg5[%mul3A_228] : memref<25600xi32, #tpu.memory_space<vmem>> -> memref<160xi32, #tpu.memory_space<vmem>>
        %dma_start3A_230 = arith.constant 0 : i32
        %dma_start3A_231 = arith.constant 0 : i32
        %dma_start3A_232 = tpu.memref_slice %arg2[%dma_start3A_230, %dma_start3A_231] : memref<1000000x128xf32, #tpu.memory_space<hbm>> -> memref<1000000x128xf32, #tpu.memory_space<hbm>>
        tpu.enqueue_indirect_dma source(%dma_start3A_232 : memref<1000000x128xf32, #tpu.memory_space<hbm>>) target(%arg10 : memref<160x128xf32, #tpu.memory_space<vmem>>) offsets(%dma_start3A_229 : memref<160xi32, #tpu.memory_space<vmem>>) semaphore(%arg15 : memref<!tpu.dma_semaphore, #tpu.memory_space<semaphore_mem>>)
      } else {
      }
      %add3A_91 = arith.constant 1 : i32
      %add3A_92 = arith.addi %add3A_64, %add3A_91 : i32
      %dma_wait3A_93 = arith.constant 0 : i32
      %dma_wait3A_94 = arith.constant 0 : i32
      %dma_wait3A_95 = tpu.memref_slice %arg2[%dma_wait3A_93, %dma_wait3A_94] : memref<1000000x128xf32, #tpu.memory_space<hbm>> -> memref<160x128xf32, #tpu.memory_space<hbm>>
      %dma_wait3A_96 = arith.constant 0 : i32
      %dma_wait3A_97 = arith.constant 0 : i32
      %dma_wait3A_98 = tpu.memref_slice %arg2[%dma_wait3A_96, %dma_wait3A_97] : memref<1000000x128xf32, #tpu.memory_space<hbm>> -> memref<160x128xf32, #tpu.memory_space<hbm>>
      tpu.wait_dma2 semaphore(%arg12 : memref<!tpu.dma_semaphore, #tpu.memory_space<semaphore_mem>>) src(%dma_wait3A_98 : memref<160x128xf32, #tpu.memory_space<hbm>>) dst(%arg7 : memref<160x128xf32, #tpu.memory_space<vmem>>)
      %scan3A_99 = arith.constant 0 : i32
      %scan3A_100 = arith.constant 80 : i32
      %scan3A_101 = arith.addi %scan3A_99, %scan3A_100 : i32
      %scan3A_102 = arith.constant 1 : i32
      scf.for %scan3A_219 = %scan3A_99 to %scan3A_101 step %scan3A_102  : i32 {
        %mul3A_220 = arith.constant 2 : i32
        %mul3A_221 = arith.muli %scan3A_219, %mul3A_220 : i32
        %add3A_222 = arith.constant 0 : i32
        %add3A_223 = arith.addi %add3A_222, %mul3A_221 : i32
        %add3A_224 = arith.constant 0 : i32
        %add3A_225 = arith.addi %add3A_223, %add3A_224 : i32
        %get3A = arith.index_cast %add3A_225 : i32 to index
        %get3A_226 = arith.constant 0 : index
        %get3A_227 = tpu.vector_load %arg7[%get3A, %get3A_226] {strides = array<i32>} : memref<160x128xf32, #tpu.memory_space<vmem>>, vector<1x16xf32>,
        %get3A_228 = vector.shape_cast %get3A_227 : vector<1x16xf32> to vector<16xf32>
        %mul3A_229 = arith.constant 11.3137083 : f32
        %mul3A_230 = vector.broadcast %mul3A_229 : f32 to vector<16xf32>
        %mul3A_231 = arith.mulf %get3A_228, %mul3A_230 : vector<16xf32>
        %swap3A = arith.index_cast %add3A_225 : i32 to index
        %swap3A_232 = arith.constant 0 : index
        %swap3A_233 = tpu.vector_load %arg7[%swap3A, %swap3A_232] {strides = array<i32>} : memref<160x128xf32, #tpu.memory_space<vmem>>, vector<1x16xf32>,
        %swap3A_234 = vector.shape_cast %swap3A_233 : vector<1x16xf32> to vector<16xf32>
        %swap3A_235 = vector.shape_cast %mul3A_231 : vector<16xf32> to vector<1x16xf32>
        tpu.vector_store %arg7[%swap3A, %swap3A_232], %swap3A_235 {strides = array<i32>} : memref<160x128xf32, #tpu.memory_space<vmem>>, vector<1x16xf32>,
        %add3A_236 = arith.constant 0 : i32
        %add3A_237 = arith.addi %add3A_223, %add3A_236 : i32
        %get3A_238 = arith.index_cast %add3A_237 : i32 to index
        %get3A_239 = arith.constant 16 : index
        %get3A_240 = tpu.vector_load %arg7[%get3A_238, %get3A_239] {strides = array<i32>} : memref<160x128xf32, #tpu.memory_space<vmem>>, vector<1x16xf32>,
        %get3A_241 = vector.shape_cast %get3A_240 : vector<1x16xf32> to vector<16xf32>
        %mul3A_242 = arith.constant 11.3137083 : f32
        %mul3A_243 = vector.broadcast %mul3A_242 : f32 to vector<16xf32>
        %mul3A_244 = arith.mulf %get3A_241, %mul3A_243 : vector<16xf32>
        %swap3A_245 = arith.index_cast %add3A_237 : i32 to index
        %swap3A_246 = arith.constant 16 : index
        %swap3A_247 = tpu.vector_load %arg7[%swap3A_245, %swap3A_246] {strides = array<i32>} : memref<160x128xf32, #tpu.memory_space<vmem>>, vector<1x16xf32>,
        %swap3A_248 = vector.shape_cast %swap3A_247 : vector<1x16xf32> to vector<16xf32>
        %swap3A_249 = vector.shape_cast %mul3A_244 : vector<16xf32> to vector<1x16xf32>
        tpu.vector_store %arg7[%swap3A_245, %swap3A_246], %swap3A_249 {strides = array<i32>} : memref<160x128xf32, #tpu.memory_space<vmem>>, vector<1x16xf32>,
        %add3A_250 = arith.constant 0 : i32
        %add3A_251 = arith.addi %add3A_223, %add3A_250 : i32
        %get3A_252 = arith.index_cast %add3A_251 : i32 to index
        %get3A_253 = arith.constant 32 : index
        %get3A_254 = tpu.vector_load %arg7[%get3A_252, %get3A_253] {strides = array<i32>} : memref<160x128xf32, #tpu.memory_space<vmem>>, vector<1x16xf32>,
        %get3A_255 = vector.shape_cast %get3A_254 : vector<1x16xf32> to vector<16xf32>
        %mul3A_256 = arith.constant 11.3137083 : f32
        %mul3A_257 = vector.broadcast %mul3A_256 : f32 to vector<16xf32>
        %mul3A_258 = arith.mulf %get3A_255, %mul3A_257 : vector<16xf32>
        %swap3A_259 = arith.index_cast %add3A_251 : i32 to index
        %swap3A_260 = arith.constant 32 : index
        %swap3A_261 = tpu.vector_load %arg7[%swap3A_259, %swap3A_260] {strides = array<i32>} : memref<160x128xf32, #tpu.memory_space<vmem>>, vector<1x16xf32>,
        %swap3A_262 = vector.shape_cast %swap3A_261 : vector<1x16xf32> to vector<16xf32>
        %swap3A_263 = vector.shape_cast %mul3A_258 : vector<16xf32> to vector<1x16xf32>
        tpu.vector_store %arg7[%swap3A_259, %swap3A_260], %swap3A_263 {strides = array<i32>} : memref<160x128xf32, #tpu.memory_space<vmem>>, vector<1x16xf32>,
        %add3A_264 = arith.constant 0 : i32
        %add3A_265 = arith.addi %add3A_223, %add3A_264 : i32
        %get3A_266 = arith.index_cast %add3A_265 : i32 to index
        %get3A_267 = arith.constant 48 : index
        %get3A_268 = tpu.vector_load %arg7[%get3A_266, %get3A_267] {strides = array<i32>} : memref<160x128xf32, #tpu.memory_space<vmem>>, vector<1x16xf32>,
        %get3A_269 = vector.shape_cast %get3A_268 : vector<1x16xf32> to vector<16xf32>
        %mul3A_270 = arith.constant 11.3137083 : f32
        %mul3A_271 = vector.broadcast %mul3A_270 : f32 to vector<16xf32>
        %mul3A_272 = arith.mulf %get3A_269, %mul3A_271 : vector<16xf32>
        %swap3A_273 = arith.index_cast %add3A_265 : i32 to index
        %swap3A_274 = arith.constant 48 : index
        %swap3A_275 = tpu.vector_load %arg7[%swap3A_273, %swap3A_274] {strides = array<i32>} : memref<160x128xf32, #tpu.memory_space<vmem>>, vector<1x16xf32>,
        %swap3A_276 = vector.shape_cast %swap3A_275 : vector<1x16xf32> to vector<16xf32>
        %swap3A_277 = vector.shape_cast %mul3A_272 : vector<16xf32> to vector<1x16xf32>
        tpu.vector_store %arg7[%swap3A_273, %swap3A_274], %swap3A_277 {strides = array<i32>} : memref<160x128xf32, #tpu.memory_space<vmem>>, vector<1x16xf32>,
        %add3A_278 = arith.constant 0 : i32
        %add3A_279 = arith.addi %add3A_223, %add3A_278 : i32
        %get3A_280 = arith.index_cast %add3A_279 : i32 to index
        %get3A_281 = arith.constant 64 : index
        %get3A_282 = tpu.vector_load %arg7[%get3A_280, %get3A_281] {strides = array<i32>} : memref<160x128xf32, #tpu.memory_space<vmem>>, vector<1x16xf32>,
        %get3A_283 = vector.shape_cast %get3A_282 : vector<1x16xf32> to vector<16xf32>
        %mul3A_284 = arith.constant 11.3137083 : f32
        %mul3A_285 = vector.broadcast %mul3A_284 : f32 to vector<16xf32>
        %mul3A_286 = arith.mulf %get3A_283, %mul3A_285 : vector<16xf32>
        %swap3A_287 = arith.index_cast %add3A_279 : i32 to index
        %swap3A_288 = arith.constant 64 : index
        %swap3A_289 = tpu.vector_load %arg7[%swap3A_287, %swap3A_288] {strides = array<i32>} : memref<160x128xf32, #tpu.memory_space<vmem>>, vector<1x16xf32>,
        %swap3A_290 = vector.shape_cast %swap3A_289 : vector<1x16xf32> to vector<16xf32>
        %swap3A_291 = vector.shape_cast %mul3A_286 : vector<16xf32> to vector<1x16xf32>
        tpu.vector_store %arg7[%swap3A_287, %swap3A_288], %swap3A_291 {strides = array<i32>} : memref<160x128xf32, #tpu.memory_space<vmem>>, vector<1x16xf32>,
        %add3A_292 = arith.constant 0 : i32
        %add3A_293 = arith.addi %add3A_223, %add3A_292 : i32
        %get3A_294 = arith.index_cast %add3A_293 : i32 to index
        %get3A_295 = arith.constant 80 : index
        %get3A_296 = tpu.vector_load %arg7[%get3A_294, %get3A_295] {strides = array<i32>} : memref<160x128xf32, #tpu.memory_space<vmem>>, vector<1x16xf32>,
        %get3A_297 = vector.shape_cast %get3A_296 : vector<1x16xf32> to vector<16xf32>
        %mul3A_298 = arith.constant 11.3137083 : f32
        %mul3A_299 = vector.broadcast %mul3A_298 : f32 to vector<16xf32>
        %mul3A_300 = arith.mulf %get3A_297, %mul3A_299 : vector<16xf32>
        %swap3A_301 = arith.index_cast %add3A_293 : i32 to index
        %swap3A_302 = arith.constant 80 : index
        %swap3A_303 = tpu.vector_load %arg7[%swap3A_301, %swap3A_302] {strides = array<i32>} : memref<160x128xf32, #tpu.memory_space<vmem>>, vector<1x16xf32>,
        %swap3A_304 = vector.shape_cast %swap3A_303 : vector<1x16xf32> to vector<16xf32>
        %swap3A_305 = vector.shape_cast %mul3A_300 : vector<16xf32> to vector<1x16xf32>
        tpu.vector_store %arg7[%swap3A_301, %swap3A_302], %swap3A_305 {strides = array<i32>} : memref<160x128xf32, #tpu.memory_space<vmem>>, vector<1x16xf32>,
        %add3A_306 = arith.constant 0 : i32
        %add3A_307 = arith.addi %add3A_223, %add3A_306 : i32
        %get3A_308 = arith.index_cast %add3A_307 : i32 to index
        %get3A_309 = arith.constant 96 : index
        %get3A_310 = tpu.vector_load %arg7[%get3A_308, %get3A_309] {strides = array<i32>} : memref<160x128xf32, #tpu.memory_space<vmem>>, vector<1x16xf32>,
        %get3A_311 = vector.shape_cast %get3A_310 : vector<1x16xf32> to vector<16xf32>
        %mul3A_312 = arith.constant 11.3137083 : f32
        %mul3A_313 = vector.broadcast %mul3A_312 : f32 to vector<16xf32>
        %mul3A_314 = arith.mulf %get3A_311, %mul3A_313 : vector<16xf32>
        %swap3A_315 = arith.index_cast %add3A_307 : i32 to index
        %swap3A_316 = arith.constant 96 : index
        %swap3A_317 = tpu.vector_load %arg7[%swap3A_315, %swap3A_316] {strides = array<i32>} : memref<160x128xf32, #tpu.memory_space<vmem>>, vector<1x16xf32>,
        %swap3A_318 = vector.shape_cast %swap3A_317 : vector<1x16xf32> to vector<16xf32>
        %swap3A_319 = vector.shape_cast %mul3A_314 : vector<16xf32> to vector<1x16xf32>
        tpu.vector_store %arg7[%swap3A_315, %swap3A_316], %swap3A_319 {strides = array<i32>} : memref<160x128xf32, #tpu.memory_space<vmem>>, vector<1x16xf32>,
        %add3A_320 = arith.constant 0 : i32
        %add3A_321 = arith.addi %add3A_223, %add3A_320 : i32
        %get3A_322 = arith.index_cast %add3A_321 : i32 to index
        %get3A_323 = arith.constant 112 : index
        %get3A_324 = tpu.vector_load %arg7[%get3A_322, %get3A_323] {strides = array<i32>} : memref<160x128xf32, #tpu.memory_space<vmem>>, vector<1x16xf32>,
        %get3A_325 = vector.shape_cast %get3A_324 : vector<1x16xf32> to vector<16xf32>
        %mul3A_326 = arith.constant 11.3137083 : f32
        %mul3A_327 = vector.broadcast %mul3A_326 : f32 to vector<16xf32>
        %mul3A_328 = arith.mulf %get3A_325, %mul3A_327 : vector<16xf32>
        %swap3A_329 = arith.index_cast %add3A_321 : i32 to index
        %swap3A_330 = arith.constant 112 : index
        %swap3A_331 = tpu.vector_load %arg7[%swap3A_329, %swap3A_330] {strides = array<i32>} : memref<160x128xf32, #tpu.memory_space<vmem>>, vector<1x16xf32>,
        %swap3A_332 = vector.shape_cast %swap3A_331 : vector<1x16xf32> to vector<16xf32>
        %swap3A_333 = vector.shape_cast %mul3A_328 : vector<16xf32> to vector<1x16xf32>
        tpu.vector_store %arg7[%swap3A_329, %swap3A_330], %swap3A_333 {strides = array<i32>} : memref<160x128xf32, #tpu.memory_space<vmem>>, vector<1x16xf32>,
        %add3A_334 = arith.constant 1 : i32
        %add3A_335 = arith.addi %add3A_223, %add3A_334 : i32
        %get3A_336 = arith.index_cast %add3A_335 : i32 to index
        %get3A_337 = arith.constant 0 : index
        %get3A_338 = tpu.vector_load %arg7[%get3A_336, %get3A_337] {strides = array<i32>} : memref<160x128xf32, #tpu.memory_space<vmem>>, vector<1x16xf32>,
        %get3A_339 = vector.shape_cast %get3A_338 : vector<1x16xf32> to vector<16xf32>
        %mul3A_340 = arith.constant 11.3137083 : f32
        %mul3A_341 = vector.broadcast %mul3A_340 : f32 to vector<16xf32>
        %mul3A_342 = arith.mulf %get3A_339, %mul3A_341 : vector<16xf32>
        %swap3A_343 = arith.index_cast %add3A_335 : i32 to index
        %swap3A_344 = arith.constant 0 : index
        %swap3A_345 = tpu.vector_load %arg7[%swap3A_343, %swap3A_344] {strides = array<i32>} : memref<160x128xf32, #tpu.memory_space<vmem>>, vector<1x16xf32>,
        %swap3A_346 = vector.shape_cast %swap3A_345 : vector<1x16xf32> to vector<16xf32>
        %swap3A_347 = vector.shape_cast %mul3A_342 : vector<16xf32> to vector<1x16xf32>
        tpu.vector_store %arg7[%swap3A_343, %swap3A_344], %swap3A_347 {strides = array<i32>} : memref<160x128xf32, #tpu.memory_space<vmem>>, vector<1x16xf32>,
        %add3A_348 = arith.constant 1 : i32
        %add3A_349 = arith.addi %add3A_223, %add3A_348 : i32
        %get3A_350 = arith.index_cast %add3A_349 : i32 to index
        %get3A_351 = arith.constant 16 : index
        %get3A_352 = tpu.vector_load %arg7[%get3A_350, %get3A_351] {strides = array<i32>} : memref<160x128xf32, #tpu.memory_space<vmem>>, vector<1x16xf32>,
        %get3A_353 = vector.shape_cast %get3A_352 : vector<1x16xf32> to vector<16xf32>
        %mul3A_354 = arith.constant 11.3137083 : f32
        %mul3A_355 = vector.broadcast %mul3A_354 : f32 to vector<16xf32>
        %mul3A_356 = arith.mulf %get3A_353, %mul3A_355 : vector<16xf32>
        %swap3A_357 = arith.index_cast %add3A_349 : i32 to index
        %swap3A_358 = arith.constant 16 : index
        %swap3A_359 = tpu.vector_load %arg7[%swap3A_357, %swap3A_358] {strides = array<i32>} : memref<160x128xf32, #tpu.memory_space<vmem>>, vector<1x16xf32>,
        %swap3A_360 = vector.shape_cast %swap3A_359 : vector<1x16xf32> to vector<16xf32>
        %swap3A_361 = vector.shape_cast %mul3A_356 : vector<16xf32> to vector<1x16xf32>
        tpu.vector_store %arg7[%swap3A_357, %swap3A_358], %swap3A_361 {strides = array<i32>} : memref<160x128xf32, #tpu.memory_space<vmem>>, vector<1x16xf32>,
        %add3A_362 = arith.constant 1 : i32
        %add3A_363 = arith.addi %add3A_223, %add3A_362 : i32
        %get3A_364 = arith.index_cast %add3A_363 : i32 to index
        %get3A_365 = arith.constant 32 : index
        %get3A_366 = tpu.vector_load %arg7[%get3A_364, %get3A_365] {strides = array<i32>} : memref<160x128xf32, #tpu.memory_space<vmem>>, vector<1x16xf32>,
        %get3A_367 = vector.shape_cast %get3A_366 : vector<1x16xf32> to vector<16xf32>
        %mul3A_368 = arith.constant 11.3137083 : f32
        %mul3A_369 = vector.broadcast %mul3A_368 : f32 to vector<16xf32>
        %mul3A_370 = arith.mulf %get3A_367, %mul3A_369 : vector<16xf32>
        %swap3A_371 = arith.index_cast %add3A_363 : i32 to index
        %swap3A_372 = arith.constant 32 : index
        %swap3A_373 = tpu.vector_load %arg7[%swap3A_371, %swap3A_372] {strides = array<i32>} : memref<160x128xf32, #tpu.memory_space<vmem>>, vector<1x16xf32>,
        %swap3A_374 = vector.shape_cast %swap3A_373 : vector<1x16xf32> to vector<16xf32>
        %swap3A_375 = vector.shape_cast %mul3A_370 : vector<16xf32> to vector<1x16xf32>
        tpu.vector_store %arg7[%swap3A_371, %swap3A_372], %swap3A_375 {strides = array<i32>} : memref<160x128xf32, #tpu.memory_space<vmem>>, vector<1x16xf32>,
        %add3A_376 = arith.constant 1 : i32
        %add3A_377 = arith.addi %add3A_223, %add3A_376 : i32
        %get3A_378 = arith.index_cast %add3A_377 : i32 to index
        %get3A_379 = arith.constant 48 : index
        %get3A_380 = tpu.vector_load %arg7[%get3A_378, %get3A_379] {strides = array<i32>} : memref<160x128xf32, #tpu.memory_space<vmem>>, vector<1x16xf32>,
        %get3A_381 = vector.shape_cast %get3A_380 : vector<1x16xf32> to vector<16xf32>
        %mul3A_382 = arith.constant 11.3137083 : f32
        %mul3A_383 = vector.broadcast %mul3A_382 : f32 to vector<16xf32>
        %mul3A_384 = arith.mulf %get3A_381, %mul3A_383 : vector<16xf32>
        %swap3A_385 = arith.index_cast %add3A_377 : i32 to index
        %swap3A_386 = arith.constant 48 : index
        %swap3A_387 = tpu.vector_load %arg7[%swap3A_385, %swap3A_386] {strides = array<i32>} : memref<160x128xf32, #tpu.memory_space<vmem>>, vector<1x16xf32>,
        %swap3A_388 = vector.shape_cast %swap3A_387 : vector<1x16xf32> to vector<16xf32>
        %swap3A_389 = vector.shape_cast %mul3A_384 : vector<16xf32> to vector<1x16xf32>
        tpu.vector_store %arg7[%swap3A_385, %swap3A_386], %swap3A_389 {strides = array<i32>} : memref<160x128xf32, #tpu.memory_space<vmem>>, vector<1x16xf32>,
        %add3A_390 = arith.constant 1 : i32
        %add3A_391 = arith.addi %add3A_223, %add3A_390 : i32
        %get3A_392 = arith.index_cast %add3A_391 : i32 to index
        %get3A_393 = arith.constant 64 : index
        %get3A_394 = tpu.vector_load %arg7[%get3A_392, %get3A_393] {strides = array<i32>} : memref<160x128xf32, #tpu.memory_space<vmem>>, vector<1x16xf32>,
        %get3A_395 = vector.shape_cast %get3A_394 : vector<1x16xf32> to vector<16xf32>
        %mul3A_396 = arith.constant 11.3137083 : f32
        %mul3A_397 = vector.broadcast %mul3A_396 : f32 to vector<16xf32>
        %mul3A_398 = arith.mulf %get3A_395, %mul3A_397 : vector<16xf32>
        %swap3A_399 = arith.index_cast %add3A_391 : i32 to index
        %swap3A_400 = arith.constant 64 : index
        %swap3A_401 = tpu.vector_load %arg7[%swap3A_399, %swap3A_400] {strides = array<i32>} : memref<160x128xf32, #tpu.memory_space<vmem>>, vector<1x16xf32>,
        %swap3A_402 = vector.shape_cast %swap3A_401 : vector<1x16xf32> to vector<16xf32>
        %swap3A_403 = vector.shape_cast %mul3A_398 : vector<16xf32> to vector<1x16xf32>
        tpu.vector_store %arg7[%swap3A_399, %swap3A_400], %swap3A_403 {strides = array<i32>} : memref<160x128xf32, #tpu.memory_space<vmem>>, vector<1x16xf32>,
        %add3A_404 = arith.constant 1 : i32
        %add3A_405 = arith.addi %add3A_223, %add3A_404 : i32
        %get3A_406 = arith.index_cast %add3A_405 : i32 to index
        %get3A_407 = arith.constant 80 : index
        %get3A_408 = tpu.vector_load %arg7[%get3A_406, %get3A_407] {strides = array<i32>} : memref<160x128xf32, #tpu.memory_space<vmem>>, vector<1x16xf32>,
        %get3A_409 = vector.shape_cast %get3A_408 : vector<1x16xf32> to vector<16xf32>
        %mul3A_410 = arith.constant 11.3137083 : f32
        %mul3A_411 = vector.broadcast %mul3A_410 : f32 to vector<16xf32>
        %mul3A_412 = arith.mulf %get3A_409, %mul3A_411 : vector<16xf32>
        %swap3A_413 = arith.index_cast %add3A_405 : i32 to index
        %swap3A_414 = arith.constant 80 : index
        %swap3A_415 = tpu.vector_load %arg7[%swap3A_413, %swap3A_414] {strides = array<i32>} : memref<160x128xf32, #tpu.memory_space<vmem>>, vector<1x16xf32>,
        %swap3A_416 = vector.shape_cast %swap3A_415 : vector<1x16xf32> to vector<16xf32>
        %swap3A_417 = vector.shape_cast %mul3A_412 : vector<16xf32> to vector<1x16xf32>
        tpu.vector_store %arg7[%swap3A_413, %swap3A_414], %swap3A_417 {strides = array<i32>} : memref<160x128xf32, #tpu.memory_space<vmem>>, vector<1x16xf32>,
        %add3A_418 = arith.constant 1 : i32
        %add3A_419 = arith.addi %add3A_223, %add3A_418 : i32
        %get3A_420 = arith.index_cast %add3A_419 : i32 to index
        %get3A_421 = arith.constant 96 : index
        %get3A_422 = tpu.vector_load %arg7[%get3A_420, %get3A_421] {strides = array<i32>} : memref<160x128xf32, #tpu.memory_space<vmem>>, vector<1x16xf32>,
        %get3A_423 = vector.shape_cast %get3A_422 : vector<1x16xf32> to vector<16xf32>
        %mul3A_424 = arith.constant 11.3137083 : f32
        %mul3A_425 = vector.broadcast %mul3A_424 : f32 to vector<16xf32>
        %mul3A_426 = arith.mulf %get3A_423, %mul3A_425 : vector<16xf32>
        %swap3A_427 = arith.index_cast %add3A_419 : i32 to index
        %swap3A_428 = arith.constant 96 : index
        %swap3A_429 = tpu.vector_load %arg7[%swap3A_427, %swap3A_428] {strides = array<i32>} : memref<160x128xf32, #tpu.memory_space<vmem>>, vector<1x16xf32>,
        %swap3A_430 = vector.shape_cast %swap3A_429 : vector<1x16xf32> to vector<16xf32>
        %swap3A_431 = vector.shape_cast %mul3A_426 : vector<16xf32> to vector<1x16xf32>
        tpu.vector_store %arg7[%swap3A_427, %swap3A_428], %swap3A_431 {strides = array<i32>} : memref<160x128xf32, #tpu.memory_space<vmem>>, vector<1x16xf32>,
        %add3A_432 = arith.constant 1 : i32
        %add3A_433 = arith.addi %add3A_223, %add3A_432 : i32
        %get3A_434 = arith.index_cast %add3A_433 : i32 to index
        %get3A_435 = arith.constant 112 : index
        %get3A_436 = tpu.vector_load %arg7[%get3A_434, %get3A_435] {strides = array<i32>} : memref<160x128xf32, #tpu.memory_space<vmem>>, vector<1x16xf32>,
        %get3A_437 = vector.shape_cast %get3A_436 : vector<1x16xf32> to vector<16xf32>
        %mul3A_438 = arith.constant 11.3137083 : f32
        %mul3A_439 = vector.broadcast %mul3A_438 : f32 to vector<16xf32>
        %mul3A_440 = arith.mulf %get3A_437, %mul3A_439 : vector<16xf32>
        %swap3A_441 = arith.index_cast %add3A_433 : i32 to index
        %swap3A_442 = arith.constant 112 : index
        %swap3A_443 = tpu.vector_load %arg7[%swap3A_441, %swap3A_442] {strides = array<i32>} : memref<160x128xf32, #tpu.memory_space<vmem>>, vector<1x16xf32>,
        %swap3A_444 = vector.shape_cast %swap3A_443 : vector<1x16xf32> to vector<16xf32>
        %swap3A_445 = vector.shape_cast %mul3A_440 : vector<16xf32> to vector<1x16xf32>
        tpu.vector_store %arg7[%swap3A_441, %swap3A_442], %swap3A_445 {strides = array<i32>} : memref<160x128xf32, #tpu.memory_space<vmem>>, vector<1x16xf32>,
      }
      %scan3A_103 = arith.constant 80 : i32
      %mul3A_104 = arith.constant 160 : i32
      %mul3A_105 = arith.muli %add3A_92, %mul3A_104 : i32
      %add3A_106 = arith.addi %mul3A_2, %mul3A_105 : i32
      %dma_start3A_107 = arith.constant 0 : i32
      %dma_start3A_108 = tpu.memref_slice %arg4[%add3A_106, %dma_start3A_107] : memref<819200x128xf32, #tpu.memory_space<hbm>> -> memref<160x128xf32, #tpu.memory_space<hbm>>
      %dma_start3A_109 = arith.constant 0 : i32
      %dma_start3A_110 = tpu.memref_slice %arg4[%add3A_106, %dma_start3A_109] : memref<819200x128xf32, #tpu.memory_space<hbm>> -> memref<160x128xf32, #tpu.memory_space<hbm>>
      tpu.enqueue_dma source(%arg7 : memref<160x128xf32, #tpu.memory_space<vmem>>) target(%dma_start3A_110 : memref<160x128xf32, #tpu.memory_space<hbm>>) target_semaphore(%arg17 : memref<!tpu.dma_semaphore, #tpu.memory_space<semaphore_mem>>)
      %sub3A_111 = arith.constant 1 : i32
      %sub3A_112 = arith.subi %add3A_92, %sub3A_111 : i32
      %ge3A_113 = arith.constant 0 : i32
      %ge3A_114 = arith.cmpi sge, %sub3A_112, %ge3A_113 : i32
      %add3A_115 = arith.constant 5 : i32
      %add3A_116 = arith.addi %sub3A_112, %add3A_115 : i32
      %lt3A_117 = arith.constant 160 : i32
      %lt3A_118 = arith.cmpi slt, %add3A_116, %lt3A_117 : i32
      %and3A_119 = arith.andi %ge3A_114, %lt3A_118 : i1
      %convert_element_type3A_120 = arith.extui %and3A_119 : i1 to i32
      %cond3A_121 = arith.constant 0 : i32
      %cond3A_122 = arith.cmpi ne, %convert_element_type3A_120, %cond3A_121 : i32
      scf.if %cond3A_122 {
        %dma_wait3A_219 = arith.constant 0 : i32
        %dma_wait3A_220 = arith.constant 0 : i32
        %dma_wait3A_221 = tpu.memref_slice %arg2[%dma_wait3A_219, %dma_wait3A_220] : memref<1000000x128xf32, #tpu.memory_space<hbm>> -> memref<160x128xf32, #tpu.memory_space<hbm>>
        %dma_wait3A_222 = arith.constant 0 : i32
        %dma_wait3A_223 = arith.constant 0 : i32
        %dma_wait3A_224 = tpu.memref_slice %arg2[%dma_wait3A_222, %dma_wait3A_223] : memref<1000000x128xf32, #tpu.memory_space<hbm>> -> memref<160x128xf32, #tpu.memory_space<hbm>>
        tpu.wait_dma2 semaphore(%arg16 : memref<!tpu.dma_semaphore, #tpu.memory_space<semaphore_mem>>) src(%dma_wait3A_224 : memref<160x128xf32, #tpu.memory_space<hbm>>) dst(%arg6 : memref<160x128xf32, #tpu.memory_space<vmem>>)
        %add3A_225 = arith.constant 5 : i32
        %add3A_226 = arith.addi %sub3A_112, %add3A_225 : i32
        %mul3A_227 = arith.constant 160 : i32
        %mul3A_228 = arith.muli %add3A_226, %mul3A_227 : i32
        %dma_start3A_229 = tpu.memref_slice %arg5[%mul3A_228] : memref<25600xi32, #tpu.memory_space<vmem>> -> memref<160xi32, #tpu.memory_space<vmem>>
        %dma_start3A_230 = arith.constant 0 : i32
        %dma_start3A_231 = arith.constant 0 : i32
        %dma_start3A_232 = tpu.memref_slice %arg2[%dma_start3A_230, %dma_start3A_231] : memref<1000000x128xf32, #tpu.memory_space<hbm>> -> memref<1000000x128xf32, #tpu.memory_space<hbm>>
        tpu.enqueue_indirect_dma source(%dma_start3A_232 : memref<1000000x128xf32, #tpu.memory_space<hbm>>) target(%arg6 : memref<160x128xf32, #tpu.memory_space<vmem>>) offsets(%dma_start3A_229 : memref<160xi32, #tpu.memory_space<vmem>>) semaphore(%arg11 : memref<!tpu.dma_semaphore, #tpu.memory_space<semaphore_mem>>)
      } else {
      }
      %add3A_123 = arith.constant 2 : i32
      %add3A_124 = arith.addi %add3A_64, %add3A_123 : i32
      %dma_wait3A_125 = arith.constant 0 : i32
      %dma_wait3A_126 = arith.constant 0 : i32
      %dma_wait3A_127 = tpu.memref_slice %arg2[%dma_wait3A_125, %dma_wait3A_126] : memref<1000000x128xf32, #tpu.memory_space<hbm>> -> memref<160x128xf32, #tpu.memory_space<hbm>>
      %dma_wait3A_128 = arith.constant 0 : i32
      %dma_wait3A_129 = arith.constant 0 : i32
      %dma_wait3A_130 = tpu.memref_slice %arg2[%dma_wait3A_128, %dma_wait3A_129] : memref<1000000x128xf32, #tpu.memory_space<hbm>> -> memref<160x128xf32, #tpu.memory_space<hbm>>
      tpu.wait_dma2 semaphore(%arg13 : memref<!tpu.dma_semaphore, #tpu.memory_space<semaphore_mem>>) src(%dma_wait3A_130 : memref<160x128xf32, #tpu.memory_space<hbm>>) dst(%arg8 : memref<160x128xf32, #tpu.memory_space<vmem>>)
      %scan3A_131 = arith.constant 0 : i32
      %scan3A_132 = arith.constant 80 : i32
      %scan3A_133 = arith.addi %scan3A_131, %scan3A_132 : i32
      %scan3A_134 = arith.constant 1 : i32
      scf.for %scan3A_219 = %scan3A_131 to %scan3A_133 step %scan3A_134  : i32 {
        %mul3A_220 = arith.constant 2 : i32
        %mul3A_221 = arith.muli %scan3A_219, %mul3A_220 : i32
        %add3A_222 = arith.constant 0 : i32
        %add3A_223 = arith.addi %add3A_222, %mul3A_221 : i32
        %add3A_224 = arith.constant 0 : i32
        %add3A_225 = arith.addi %add3A_223, %add3A_224 : i32
        %get3A = arith.index_cast %add3A_225 : i32 to index
        %get3A_226 = arith.constant 0 : index
        %get3A_227 = tpu.vector_load %arg8[%get3A, %get3A_226] {strides = array<i32>} : memref<160x128xf32, #tpu.memory_space<vmem>>, vector<1x16xf32>,
        %get3A_228 = vector.shape_cast %get3A_227 : vector<1x16xf32> to vector<16xf32>
        %mul3A_229 = arith.constant 11.3137083 : f32
        %mul3A_230 = vector.broadcast %mul3A_229 : f32 to vector<16xf32>
        %mul3A_231 = arith.mulf %get3A_228, %mul3A_230 : vector<16xf32>
        %swap3A = arith.index_cast %add3A_225 : i32 to index
        %swap3A_232 = arith.constant 0 : index
        %swap3A_233 = tpu.vector_load %arg8[%swap3A, %swap3A_232] {strides = array<i32>} : memref<160x128xf32, #tpu.memory_space<vmem>>, vector<1x16xf32>,
        %swap3A_234 = vector.shape_cast %swap3A_233 : vector<1x16xf32> to vector<16xf32>
        %swap3A_235 = vector.shape_cast %mul3A_231 : vector<16xf32> to vector<1x16xf32>
        tpu.vector_store %arg8[%swap3A, %swap3A_232], %swap3A_235 {strides = array<i32>} : memref<160x128xf32, #tpu.memory_space<vmem>>, vector<1x16xf32>,
        %add3A_236 = arith.constant 0 : i32
        %add3A_237 = arith.addi %add3A_223, %add3A_236 : i32
        %get3A_238 = arith.index_cast %add3A_237 : i32 to index
        %get3A_239 = arith.constant 16 : index
        %get3A_240 = tpu.vector_load %arg8[%get3A_238, %get3A_239] {strides = array<i32>} : memref<160x128xf32, #tpu.memory_space<vmem>>, vector<1x16xf32>,
        %get3A_241 = vector.shape_cast %get3A_240 : vector<1x16xf32> to vector<16xf32>
        %mul3A_242 = arith.constant 11.3137083 : f32
        %mul3A_243 = vector.broadcast %mul3A_242 : f32 to vector<16xf32>
        %mul3A_244 = arith.mulf %get3A_241, %mul3A_243 : vector<16xf32>
        %swap3A_245 = arith.index_cast %add3A_237 : i32 to index
        %swap3A_246 = arith.constant 16 : index
        %swap3A_247 = tpu.vector_load %arg8[%swap3A_245, %swap3A_246] {strides = array<i32>} : memref<160x128xf32, #tpu.memory_space<vmem>>, vector<1x16xf32>,
        %swap3A_248 = vector.shape_cast %swap3A_247 : vector<1x16xf32> to vector<16xf32>
        %swap3A_249 = vector.shape_cast %mul3A_244 : vector<16xf32> to vector<1x16xf32>
        tpu.vector_store %arg8[%swap3A_245, %swap3A_246], %swap3A_249 {strides = array<i32>} : memref<160x128xf32, #tpu.memory_space<vmem>>, vector<1x16xf32>,
        %add3A_250 = arith.constant 0 : i32
        %add3A_251 = arith.addi %add3A_223, %add3A_250 : i32
        %get3A_252 = arith.index_cast %add3A_251 : i32 to index
        %get3A_253 = arith.constant 32 : index
        %get3A_254 = tpu.vector_load %arg8[%get3A_252, %get3A_253] {strides = array<i32>} : memref<160x128xf32, #tpu.memory_space<vmem>>, vector<1x16xf32>,
        %get3A_255 = vector.shape_cast %get3A_254 : vector<1x16xf32> to vector<16xf32>
        %mul3A_256 = arith.constant 11.3137083 : f32
        %mul3A_257 = vector.broadcast %mul3A_256 : f32 to vector<16xf32>
        %mul3A_258 = arith.mulf %get3A_255, %mul3A_257 : vector<16xf32>
        %swap3A_259 = arith.index_cast %add3A_251 : i32 to index
        %swap3A_260 = arith.constant 32 : index
        %swap3A_261 = tpu.vector_load %arg8[%swap3A_259, %swap3A_260] {strides = array<i32>} : memref<160x128xf32, #tpu.memory_space<vmem>>, vector<1x16xf32>,
        %swap3A_262 = vector.shape_cast %swap3A_261 : vector<1x16xf32> to vector<16xf32>
        %swap3A_263 = vector.shape_cast %mul3A_258 : vector<16xf32> to vector<1x16xf32>
        tpu.vector_store %arg8[%swap3A_259, %swap3A_260], %swap3A_263 {strides = array<i32>} : memref<160x128xf32, #tpu.memory_space<vmem>>, vector<1x16xf32>,
        %add3A_264 = arith.constant 0 : i32
        %add3A_265 = arith.addi %add3A_223, %add3A_264 : i32
        %get3A_266 = arith.index_cast %add3A_265 : i32 to index
        %get3A_267 = arith.constant 48 : index
        %get3A_268 = tpu.vector_load %arg8[%get3A_266, %get3A_267] {strides = array<i32>} : memref<160x128xf32, #tpu.memory_space<vmem>>, vector<1x16xf32>,
        %get3A_269 = vector.shape_cast %get3A_268 : vector<1x16xf32> to vector<16xf32>
        %mul3A_270 = arith.constant 11.3137083 : f32
        %mul3A_271 = vector.broadcast %mul3A_270 : f32 to vector<16xf32>
        %mul3A_272 = arith.mulf %get3A_269, %mul3A_271 : vector<16xf32>
        %swap3A_273 = arith.index_cast %add3A_265 : i32 to index
        %swap3A_274 = arith.constant 48 : index
        %swap3A_275 = tpu.vector_load %arg8[%swap3A_273, %swap3A_274] {strides = array<i32>} : memref<160x128xf32, #tpu.memory_space<vmem>>, vector<1x16xf32>,
        %swap3A_276 = vector.shape_cast %swap3A_275 : vector<1x16xf32> to vector<16xf32>
        %swap3A_277 = vector.shape_cast %mul3A_272 : vector<16xf32> to vector<1x16xf32>
        tpu.vector_store %arg8[%swap3A_273, %swap3A_274], %swap3A_277 {strides = array<i32>} : memref<160x128xf32, #tpu.memory_space<vmem>>, vector<1x16xf32>,
        %add3A_278 = arith.constant 0 : i32
        %add3A_279 = arith.addi %add3A_223, %add3A_278 : i32
        %get3A_280 = arith.index_cast %add3A_279 : i32 to index
        %get3A_281 = arith.constant 64 : index
        %get3A_282 = tpu.vector_load %arg8[%get3A_280, %get3A_281] {strides = array<i32>} : memref<160x128xf32, #tpu.memory_space<vmem>>, vector<1x16xf32>,
        %get3A_283 = vector.shape_cast %get3A_282 : vector<1x16xf32> to vector<16xf32>
        %mul3A_284 = arith.constant 11.3137083 : f32
        %mul3A_285 = vector.broadcast %mul3A_284 : f32 to vector<16xf32>
        %mul3A_286 = arith.mulf %get3A_283, %mul3A_285 : vector<16xf32>
        %swap3A_287 = arith.index_cast %add3A_279 : i32 to index
        %swap3A_288 = arith.constant 64 : index
        %swap3A_289 = tpu.vector_load %arg8[%swap3A_287, %swap3A_288] {strides = array<i32>} : memref<160x128xf32, #tpu.memory_space<vmem>>, vector<1x16xf32>,
        %swap3A_290 = vector.shape_cast %swap3A_289 : vector<1x16xf32> to vector<16xf32>
        %swap3A_291 = vector.shape_cast %mul3A_286 : vector<16xf32> to vector<1x16xf32>
        tpu.vector_store %arg8[%swap3A_287, %swap3A_288], %swap3A_291 {strides = array<i32>} : memref<160x128xf32, #tpu.memory_space<vmem>>, vector<1x16xf32>,
        %add3A_292 = arith.constant 0 : i32
        %add3A_293 = arith.addi %add3A_223, %add3A_292 : i32
        %get3A_294 = arith.index_cast %add3A_293 : i32 to index
        %get3A_295 = arith.constant 80 : index
        %get3A_296 = tpu.vector_load %arg8[%get3A_294, %get3A_295] {strides = array<i32>} : memref<160x128xf32, #tpu.memory_space<vmem>>, vector<1x16xf32>,
        %get3A_297 = vector.shape_cast %get3A_296 : vector<1x16xf32> to vector<16xf32>
        %mul3A_298 = arith.constant 11.3137083 : f32
        %mul3A_299 = vector.broadcast %mul3A_298 : f32 to vector<16xf32>
        %mul3A_300 = arith.mulf %get3A_297, %mul3A_299 : vector<16xf32>
        %swap3A_301 = arith.index_cast %add3A_293 : i32 to index
        %swap3A_302 = arith.constant 80 : index
        %swap3A_303 = tpu.vector_load %arg8[%swap3A_301, %swap3A_302] {strides = array<i32>} : memref<160x128xf32, #tpu.memory_space<vmem>>, vector<1x16xf32>,
        %swap3A_304 = vector.shape_cast %swap3A_303 : vector<1x16xf32> to vector<16xf32>
        %swap3A_305 = vector.shape_cast %mul3A_300 : vector<16xf32> to vector<1x16xf32>
        tpu.vector_store %arg8[%swap3A_301, %swap3A_302], %swap3A_305 {strides = array<i32>} : memref<160x128xf32, #tpu.memory_space<vmem>>, vector<1x16xf32>,
        %add3A_306 = arith.constant 0 : i32
        %add3A_307 = arith.addi %add3A_223, %add3A_306 : i32
        %get3A_308 = arith.index_cast %add3A_307 : i32 to index
        %get3A_309 = arith.constant 96 : index
        %get3A_310 = tpu.vector_load %arg8[%get3A_308, %get3A_309] {strides = array<i32>} : memref<160x128xf32, #tpu.memory_space<vmem>>, vector<1x16xf32>,
        %get3A_311 = vector.shape_cast %get3A_310 : vector<1x16xf32> to vector<16xf32>
        %mul3A_312 = arith.constant 11.3137083 : f32
        %mul3A_313 = vector.broadcast %mul3A_312 : f32 to vector<16xf32>
        %mul3A_314 = arith.mulf %get3A_311, %mul3A_313 : vector<16xf32>
        %swap3A_315 = arith.index_cast %add3A_307 : i32 to index
        %swap3A_316 = arith.constant 96 : index
        %swap3A_317 = tpu.vector_load %arg8[%swap3A_315, %swap3A_316] {strides = array<i32>} : memref<160x128xf32, #tpu.memory_space<vmem>>, vector<1x16xf32>,
        %swap3A_318 = vector.shape_cast %swap3A_317 : vector<1x16xf32> to vector<16xf32>
        %swap3A_319 = vector.shape_cast %mul3A_314 : vector<16xf32> to vector<1x16xf32>
        tpu.vector_store %arg8[%swap3A_315, %swap3A_316], %swap3A_319 {strides = array<i32>} : memref<160x128xf32, #tpu.memory_space<vmem>>, vector<1x16xf32>,
        %add3A_320 = arith.constant 0 : i32
        %add3A_321 = arith.addi %add3A_223, %add3A_320 : i32
        %get3A_322 = arith.index_cast %add3A_321 : i32 to index
        %get3A_323 = arith.constant 112 : index
        %get3A_324 = tpu.vector_load %arg8[%get3A_322, %get3A_323] {strides = array<i32>} : memref<160x128xf32, #tpu.memory_space<vmem>>, vector<1x16xf32>,
        %get3A_325 = vector.shape_cast %get3A_324 : vector<1x16xf32> to vector<16xf32>
        %mul3A_326 = arith.constant 11.3137083 : f32
        %mul3A_327 = vector.broadcast %mul3A_326 : f32 to vector<16xf32>
        %mul3A_328 = arith.mulf %get3A_325, %mul3A_327 : vector<16xf32>
        %swap3A_329 = arith.index_cast %add3A_321 : i32 to index
        %swap3A_330 = arith.constant 112 : index
        %swap3A_331 = tpu.vector_load %arg8[%swap3A_329, %swap3A_330] {strides = array<i32>} : memref<160x128xf32, #tpu.memory_space<vmem>>, vector<1x16xf32>,
        %swap3A_332 = vector.shape_cast %swap3A_331 : vector<1x16xf32> to vector<16xf32>
        %swap3A_333 = vector.shape_cast %mul3A_328 : vector<16xf32> to vector<1x16xf32>
        tpu.vector_store %arg8[%swap3A_329, %swap3A_330], %swap3A_333 {strides = array<i32>} : memref<160x128xf32, #tpu.memory_space<vmem>>, vector<1x16xf32>,
        %add3A_334 = arith.constant 1 : i32
        %add3A_335 = arith.addi %add3A_223, %add3A_334 : i32
        %get3A_336 = arith.index_cast %add3A_335 : i32 to index
        %get3A_337 = arith.constant 0 : index
        %get3A_338 = tpu.vector_load %arg8[%get3A_336, %get3A_337] {strides = array<i32>} : memref<160x128xf32, #tpu.memory_space<vmem>>, vector<1x16xf32>,
        %get3A_339 = vector.shape_cast %get3A_338 : vector<1x16xf32> to vector<16xf32>
        %mul3A_340 = arith.constant 11.3137083 : f32
        %mul3A_341 = vector.broadcast %mul3A_340 : f32 to vector<16xf32>
        %mul3A_342 = arith.mulf %get3A_339, %mul3A_341 : vector<16xf32>
        %swap3A_343 = arith.index_cast %add3A_335 : i32 to index
        %swap3A_344 = arith.constant 0 : index
        %swap3A_345 = tpu.vector_load %arg8[%swap3A_343, %swap3A_344] {strides = array<i32>} : memref<160x128xf32, #tpu.memory_space<vmem>>, vector<1x16xf32>,
        %swap3A_346 = vector.shape_cast %swap3A_345 : vector<1x16xf32> to vector<16xf32>
        %swap3A_347 = vector.shape_cast %mul3A_342 : vector<16xf32> to vector<1x16xf32>
        tpu.vector_store %arg8[%swap3A_343, %swap3A_344], %swap3A_347 {strides = array<i32>} : memref<160x128xf32, #tpu.memory_space<vmem>>, vector<1x16xf32>,
        %add3A_348 = arith.constant 1 : i32
        %add3A_349 = arith.addi %add3A_223, %add3A_348 : i32
        %get3A_350 = arith.index_cast %add3A_349 : i32 to index
        %get3A_351 = arith.constant 16 : index
        %get3A_352 = tpu.vector_load %arg8[%get3A_350, %get3A_351] {strides = array<i32>} : memref<160x128xf32, #tpu.memory_space<vmem>>, vector<1x16xf32>,
        %get3A_353 = vector.shape_cast %get3A_352 : vector<1x16xf32> to vector<16xf32>
        %mul3A_354 = arith.constant 11.3137083 : f32
        %mul3A_355 = vector.broadcast %mul3A_354 : f32 to vector<16xf32>
        %mul3A_356 = arith.mulf %get3A_353, %mul3A_355 : vector<16xf32>
        %swap3A_357 = arith.index_cast %add3A_349 : i32 to index
        %swap3A_358 = arith.constant 16 : index
        %swap3A_359 = tpu.vector_load %arg8[%swap3A_357, %swap3A_358] {strides = array<i32>} : memref<160x128xf32, #tpu.memory_space<vmem>>, vector<1x16xf32>,
        %swap3A_360 = vector.shape_cast %swap3A_359 : vector<1x16xf32> to vector<16xf32>
        %swap3A_361 = vector.shape_cast %mul3A_356 : vector<16xf32> to vector<1x16xf32>
        tpu.vector_store %arg8[%swap3A_357, %swap3A_358], %swap3A_361 {strides = array<i32>} : memref<160x128xf32, #tpu.memory_space<vmem>>, vector<1x16xf32>,
        %add3A_362 = arith.constant 1 : i32
        %add3A_363 = arith.addi %add3A_223, %add3A_362 : i32
        %get3A_364 = arith.index_cast %add3A_363 : i32 to index
        %get3A_365 = arith.constant 32 : index
        %get3A_366 = tpu.vector_load %arg8[%get3A_364, %get3A_365] {strides = array<i32>} : memref<160x128xf32, #tpu.memory_space<vmem>>, vector<1x16xf32>,
        %get3A_367 = vector.shape_cast %get3A_366 : vector<1x16xf32> to vector<16xf32>
        %mul3A_368 = arith.constant 11.3137083 : f32
        %mul3A_369 = vector.broadcast %mul3A_368 : f32 to vector<16xf32>
        %mul3A_370 = arith.mulf %get3A_367, %mul3A_369 : vector<16xf32>
        %swap3A_371 = arith.index_cast %add3A_363 : i32 to index
        %swap3A_372 = arith.constant 32 : index
        %swap3A_373 = tpu.vector_load %arg8[%swap3A_371, %swap3A_372] {strides = array<i32>} : memref<160x128xf32, #tpu.memory_space<vmem>>, vector<1x16xf32>,
        %swap3A_374 = vector.shape_cast %swap3A_373 : vector<1x16xf32> to vector<16xf32>
        %swap3A_375 = vector.shape_cast %mul3A_370 : vector<16xf32> to vector<1x16xf32>
        tpu.vector_store %arg8[%swap3A_371, %swap3A_372], %swap3A_375 {strides = array<i32>} : memref<160x128xf32, #tpu.memory_space<vmem>>, vector<1x16xf32>,
        %add3A_376 = arith.constant 1 : i32
        %add3A_377 = arith.addi %add3A_223, %add3A_376 : i32
        %get3A_378 = arith.index_cast %add3A_377 : i32 to index
        %get3A_379 = arith.constant 48 : index
        %get3A_380 = tpu.vector_load %arg8[%get3A_378, %get3A_379] {strides = array<i32>} : memref<160x128xf32, #tpu.memory_space<vmem>>, vector<1x16xf32>,
        %get3A_381 = vector.shape_cast %get3A_380 : vector<1x16xf32> to vector<16xf32>
        %mul3A_382 = arith.constant 11.3137083 : f32
        %mul3A_383 = vector.broadcast %mul3A_382 : f32 to vector<16xf32>
        %mul3A_384 = arith.mulf %get3A_381, %mul3A_383 : vector<16xf32>
        %swap3A_385 = arith.index_cast %add3A_377 : i32 to index
        %swap3A_386 = arith.constant 48 : index
        %swap3A_387 = tpu.vector_load %arg8[%swap3A_385, %swap3A_386] {strides = array<i32>} : memref<160x128xf32, #tpu.memory_space<vmem>>, vector<1x16xf32>,
        %swap3A_388 = vector.shape_cast %swap3A_387 : vector<1x16xf32> to vector<16xf32>
        %swap3A_389 = vector.shape_cast %mul3A_384 : vector<16xf32> to vector<1x16xf32>
        tpu.vector_store %arg8[%swap3A_385, %swap3A_386], %swap3A_389 {strides = array<i32>} : memref<160x128xf32, #tpu.memory_space<vmem>>, vector<1x16xf32>,
        %add3A_390 = arith.constant 1 : i32
        %add3A_391 = arith.addi %add3A_223, %add3A_390 : i32
        %get3A_392 = arith.index_cast %add3A_391 : i32 to index
        %get3A_393 = arith.constant 64 : index
        %get3A_394 = tpu.vector_load %arg8[%get3A_392, %get3A_393] {strides = array<i32>} : memref<160x128xf32, #tpu.memory_space<vmem>>, vector<1x16xf32>,
        %get3A_395 = vector.shape_cast %get3A_394 : vector<1x16xf32> to vector<16xf32>
        %mul3A_396 = arith.constant 11.3137083 : f32
        %mul3A_397 = vector.broadcast %mul3A_396 : f32 to vector<16xf32>
        %mul3A_398 = arith.mulf %get3A_395, %mul3A_397 : vector<16xf32>
        %swap3A_399 = arith.index_cast %add3A_391 : i32 to index
        %swap3A_400 = arith.constant 64 : index
        %swap3A_401 = tpu.vector_load %arg8[%swap3A_399, %swap3A_400] {strides = array<i32>} : memref<160x128xf32, #tpu.memory_space<vmem>>, vector<1x16xf32>,
        %swap3A_402 = vector.shape_cast %swap3A_401 : vector<1x16xf32> to vector<16xf32>
        %swap3A_403 = vector.shape_cast %mul3A_398 : vector<16xf32> to vector<1x16xf32>
        tpu.vector_store %arg8[%swap3A_399, %swap3A_400], %swap3A_403 {strides = array<i32>} : memref<160x128xf32, #tpu.memory_space<vmem>>, vector<1x16xf32>,
        %add3A_404 = arith.constant 1 : i32
        %add3A_405 = arith.addi %add3A_223, %add3A_404 : i32
        %get3A_406 = arith.index_cast %add3A_405 : i32 to index
        %get3A_407 = arith.constant 80 : index
        %get3A_408 = tpu.vector_load %arg8[%get3A_406, %get3A_407] {strides = array<i32>} : memref<160x128xf32, #tpu.memory_space<vmem>>, vector<1x16xf32>,
        %get3A_409 = vector.shape_cast %get3A_408 : vector<1x16xf32> to vector<16xf32>
        %mul3A_410 = arith.constant 11.3137083 : f32
        %mul3A_411 = vector.broadcast %mul3A_410 : f32 to vector<16xf32>
        %mul3A_412 = arith.mulf %get3A_409, %mul3A_411 : vector<16xf32>
        %swap3A_413 = arith.index_cast %add3A_405 : i32 to index
        %swap3A_414 = arith.constant 80 : index
        %swap3A_415 = tpu.vector_load %arg8[%swap3A_413, %swap3A_414] {strides = array<i32>} : memref<160x128xf32, #tpu.memory_space<vmem>>, vector<1x16xf32>,
        %swap3A_416 = vector.shape_cast %swap3A_415 : vector<1x16xf32> to vector<16xf32>
        %swap3A_417 = vector.shape_cast %mul3A_412 : vector<16xf32> to vector<1x16xf32>
        tpu.vector_store %arg8[%swap3A_413, %swap3A_414], %swap3A_417 {strides = array<i32>} : memref<160x128xf32, #tpu.memory_space<vmem>>, vector<1x16xf32>,
        %add3A_418 = arith.constant 1 : i32
        %add3A_419 = arith.addi %add3A_223, %add3A_418 : i32
        %get3A_420 = arith.index_cast %add3A_419 : i32 to index
        %get3A_421 = arith.constant 96 : index
        %get3A_422 = tpu.vector_load %arg8[%get3A_420, %get3A_421] {strides = array<i32>} : memref<160x128xf32, #tpu.memory_space<vmem>>, vector<1x16xf32>,
        %get3A_423 = vector.shape_cast %get3A_422 : vector<1x16xf32> to vector<16xf32>
        %mul3A_424 = arith.constant 11.3137083 : f32
        %mul3A_425 = vector.broadcast %mul3A_424 : f32 to vector<16xf32>
        %mul3A_426 = arith.mulf %get3A_423, %mul3A_425 : vector<16xf32>
        %swap3A_427 = arith.index_cast %add3A_419 : i32 to index
        %swap3A_428 = arith.constant 96 : index
        %swap3A_429 = tpu.vector_load %arg8[%swap3A_427, %swap3A_428] {strides = array<i32>} : memref<160x128xf32, #tpu.memory_space<vmem>>, vector<1x16xf32>,
        %swap3A_430 = vector.shape_cast %swap3A_429 : vector<1x16xf32> to vector<16xf32>
        %swap3A_431 = vector.shape_cast %mul3A_426 : vector<16xf32> to vector<1x16xf32>
        tpu.vector_store %arg8[%swap3A_427, %swap3A_428], %swap3A_431 {strides = array<i32>} : memref<160x128xf32, #tpu.memory_space<vmem>>, vector<1x16xf32>,
        %add3A_432 = arith.constant 1 : i32
        %add3A_433 = arith.addi %add3A_223, %add3A_432 : i32
        %get3A_434 = arith.index_cast %add3A_433 : i32 to index
        %get3A_435 = arith.constant 112 : index
        %get3A_436 = tpu.vector_load %arg8[%get3A_434, %get3A_435] {strides = array<i32>} : memref<160x128xf32, #tpu.memory_space<vmem>>, vector<1x16xf32>,
        %get3A_437 = vector.shape_cast %get3A_436 : vector<1x16xf32> to vector<16xf32>
        %mul3A_438 = arith.constant 11.3137083 : f32
        %mul3A_439 = vector.broadcast %mul3A_438 : f32 to vector<16xf32>
        %mul3A_440 = arith.mulf %get3A_437, %mul3A_439 : vector<16xf32>
        %swap3A_441 = arith.index_cast %add3A_433 : i32 to index
        %swap3A_442 = arith.constant 112 : index
        %swap3A_443 = tpu.vector_load %arg8[%swap3A_441, %swap3A_442] {strides = array<i32>} : memref<160x128xf32, #tpu.memory_space<vmem>>, vector<1x16xf32>,
        %swap3A_444 = vector.shape_cast %swap3A_443 : vector<1x16xf32> to vector<16xf32>
        %swap3A_445 = vector.shape_cast %mul3A_440 : vector<16xf32> to vector<1x16xf32>
        tpu.vector_store %arg8[%swap3A_441, %swap3A_442], %swap3A_445 {strides = array<i32>} : memref<160x128xf32, #tpu.memory_space<vmem>>, vector<1x16xf32>,
      }
      %scan3A_135 = arith.constant 80 : i32
      %mul3A_136 = arith.constant 160 : i32
      %mul3A_137 = arith.muli %add3A_124, %mul3A_136 : i32
      %add3A_138 = arith.addi %mul3A_2, %mul3A_137 : i32
      %dma_start3A_139 = arith.constant 0 : i32
      %dma_start3A_140 = tpu.memref_slice %arg4[%add3A_138, %dma_start3A_139] : memref<819200x128xf32, #tpu.memory_space<hbm>> -> memref<160x128xf32, #tpu.memory_space<hbm>>
      %dma_start3A_141 = arith.constant 0 : i32
      %dma_start3A_142 = tpu.memref_slice %arg4[%add3A_138, %dma_start3A_141] : memref<819200x128xf32, #tpu.memory_space<hbm>> -> memref<160x128xf32, #tpu.memory_space<hbm>>
      tpu.enqueue_dma source(%arg8 : memref<160x128xf32, #tpu.memory_space<vmem>>) target(%dma_start3A_142 : memref<160x128xf32, #tpu.memory_space<hbm>>) target_semaphore(%arg18 : memref<!tpu.dma_semaphore, #tpu.memory_space<semaphore_mem>>)
      %sub3A_143 = arith.constant 1 : i32
      %sub3A_144 = arith.subi %add3A_124, %sub3A_143 : i32
      %ge3A_145 = arith.constant 0 : i32
      %ge3A_146 = arith.cmpi sge, %sub3A_144, %ge3A_145 : i32
      %add3A_147 = arith.constant 5 : i32
      %add3A_148 = arith.addi %sub3A_144, %add3A_147 : i32
      %lt3A_149 = arith.constant 160 : i32
      %lt3A_150 = arith.cmpi slt, %add3A_148, %lt3A_149 : i32
      %and3A_151 = arith.andi %ge3A_146, %lt3A_150 : i1
      %convert_element_type3A_152 = arith.extui %and3A_151 : i1 to i32
      %cond3A_153 = arith.constant 0 : i32
      %cond3A_154 = arith.cmpi ne, %convert_element_type3A_152, %cond3A_153 : i32
      scf.if %cond3A_154 {
        %dma_wait3A_219 = arith.constant 0 : i32
        %dma_wait3A_220 = arith.constant 0 : i32
        %dma_wait3A_221 = tpu.memref_slice %arg2[%dma_wait3A_219, %dma_wait3A_220] : memref<1000000x128xf32, #tpu.memory_space<hbm>> -> memref<160x128xf32, #tpu.memory_space<hbm>>
        %dma_wait3A_222 = arith.constant 0 : i32
        %dma_wait3A_223 = arith.constant 0 : i32
        %dma_wait3A_224 = tpu.memref_slice %arg2[%dma_wait3A_222, %dma_wait3A_223] : memref<1000000x128xf32, #tpu.memory_space<hbm>> -> memref<160x128xf32, #tpu.memory_space<hbm>>
        tpu.wait_dma2 semaphore(%arg17 : memref<!tpu.dma_semaphore, #tpu.memory_space<semaphore_mem>>) src(%dma_wait3A_224 : memref<160x128xf32, #tpu.memory_space<hbm>>) dst(%arg7 : memref<160x128xf32, #tpu.memory_space<vmem>>)
        %add3A_225 = arith.constant 5 : i32
        %add3A_226 = arith.addi %sub3A_144, %add3A_225 : i32
        %mul3A_227 = arith.constant 160 : i32
        %mul3A_228 = arith.muli %add3A_226, %mul3A_227 : i32
        %dma_start3A_229 = tpu.memref_slice %arg5[%mul3A_228] : memref<25600xi32, #tpu.memory_space<vmem>> -> memref<160xi32, #tpu.memory_space<vmem>>
        %dma_start3A_230 = arith.constant 0 : i32
        %dma_start3A_231 = arith.constant 0 : i32
        %dma_start3A_232 = tpu.memref_slice %arg2[%dma_start3A_230, %dma_start3A_231] : memref<1000000x128xf32, #tpu.memory_space<hbm>> -> memref<1000000x128xf32, #tpu.memory_space<hbm>>
        tpu.enqueue_indirect_dma source(%dma_start3A_232 : memref<1000000x128xf32, #tpu.memory_space<hbm>>) target(%arg7 : memref<160x128xf32, #tpu.memory_space<vmem>>) offsets(%dma_start3A_229 : memref<160xi32, #tpu.memory_space<vmem>>) semaphore(%arg12 : memref<!tpu.dma_semaphore, #tpu.memory_space<semaphore_mem>>)
      } else {
      }
      %add3A_155 = arith.constant 3 : i32
      %add3A_156 = arith.addi %add3A_64, %add3A_155 : i32
      %dma_wait3A_157 = arith.constant 0 : i32
      %dma_wait3A_158 = arith.constant 0 : i32
      %dma_wait3A_159 = tpu.memref_slice %arg2[%dma_wait3A_157, %dma_wait3A_158] : memref<1000000x128xf32, #tpu.memory_space<hbm>> -> memref<160x128xf32, #tpu.memory_space<hbm>>
      %dma_wait3A_160 = arith.constant 0 : i32
      %dma_wait3A_161 = arith.constant 0 : i32
      %dma_wait3A_162 = tpu.memref_slice %arg2[%dma_wait3A_160, %dma_wait3A_161] : memref<1000000x128xf32, #tpu.memory_space<hbm>> -> memref<160x128xf32, #tpu.memory_space<hbm>>
      tpu.wait_dma2 semaphore(%arg14 : memref<!tpu.dma_semaphore, #tpu.memory_space<semaphore_mem>>) src(%dma_wait3A_162 : memref<160x128xf32, #tpu.memory_space<hbm>>) dst(%arg9 : memref<160x128xf32, #tpu.memory_space<vmem>>)
      %scan3A_163 = arith.constant 0 : i32
      %scan3A_164 = arith.constant 80 : i32
      %scan3A_165 = arith.addi %scan3A_163, %scan3A_164 : i32
      %scan3A_166 = arith.constant 1 : i32
      scf.for %scan3A_219 = %scan3A_163 to %scan3A_165 step %scan3A_166  : i32 {
        %mul3A_220 = arith.constant 2 : i32
        %mul3A_221 = arith.muli %scan3A_219, %mul3A_220 : i32
        %add3A_222 = arith.constant 0 : i32
        %add3A_223 = arith.addi %add3A_222, %mul3A_221 : i32
        %add3A_224 = arith.constant 0 : i32
        %add3A_225 = arith.addi %add3A_223, %add3A_224 : i32
        %get3A = arith.index_cast %add3A_225 : i32 to index
        %get3A_226 = arith.constant 0 : index
        %get3A_227 = tpu.vector_load %arg9[%get3A, %get3A_226] {strides = array<i32>} : memref<160x128xf32, #tpu.memory_space<vmem>>, vector<1x16xf32>,
        %get3A_228 = vector.shape_cast %get3A_227 : vector<1x16xf32> to vector<16xf32>
        %mul3A_229 = arith.constant 11.3137083 : f32
        %mul3A_230 = vector.broadcast %mul3A_229 : f32 to vector<16xf32>
        %mul3A_231 = arith.mulf %get3A_228, %mul3A_230 : vector<16xf32>
        %swap3A = arith.index_cast %add3A_225 : i32 to index
        %swap3A_232 = arith.constant 0 : index
        %swap3A_233 = tpu.vector_load %arg9[%swap3A, %swap3A_232] {strides = array<i32>} : memref<160x128xf32, #tpu.memory_space<vmem>>, vector<1x16xf32>,
        %swap3A_234 = vector.shape_cast %swap3A_233 : vector<1x16xf32> to vector<16xf32>
        %swap3A_235 = vector.shape_cast %mul3A_231 : vector<16xf32> to vector<1x16xf32>
        tpu.vector_store %arg9[%swap3A, %swap3A_232], %swap3A_235 {strides = array<i32>} : memref<160x128xf32, #tpu.memory_space<vmem>>, vector<1x16xf32>,
        %add3A_236 = arith.constant 0 : i32
        %add3A_237 = arith.addi %add3A_223, %add3A_236 : i32
        %get3A_238 = arith.index_cast %add3A_237 : i32 to index
        %get3A_239 = arith.constant 16 : index
        %get3A_240 = tpu.vector_load %arg9[%get3A_238, %get3A_239] {strides = array<i32>} : memref<160x128xf32, #tpu.memory_space<vmem>>, vector<1x16xf32>,
        %get3A_241 = vector.shape_cast %get3A_240 : vector<1x16xf32> to vector<16xf32>
        %mul3A_242 = arith.constant 11.3137083 : f32
        %mul3A_243 = vector.broadcast %mul3A_242 : f32 to vector<16xf32>
        %mul3A_244 = arith.mulf %get3A_241, %mul3A_243 : vector<16xf32>
        %swap3A_245 = arith.index_cast %add3A_237 : i32 to index
        %swap3A_246 = arith.constant 16 : index
        %swap3A_247 = tpu.vector_load %arg9[%swap3A_245, %swap3A_246] {strides = array<i32>} : memref<160x128xf32, #tpu.memory_space<vmem>>, vector<1x16xf32>,
        %swap3A_248 = vector.shape_cast %swap3A_247 : vector<1x16xf32> to vector<16xf32>
        %swap3A_249 = vector.shape_cast %mul3A_244 : vector<16xf32> to vector<1x16xf32>
        tpu.vector_store %arg9[%swap3A_245, %swap3A_246], %swap3A_249 {strides = array<i32>} : memref<160x128xf32, #tpu.memory_space<vmem>>, vector<1x16xf32>,
        %add3A_250 = arith.constant 0 : i32
        %add3A_251 = arith.addi %add3A_223, %add3A_250 : i32
        %get3A_252 = arith.index_cast %add3A_251 : i32 to index
        %get3A_253 = arith.constant 32 : index
        %get3A_254 = tpu.vector_load %arg9[%get3A_252, %get3A_253] {strides = array<i32>} : memref<160x128xf32, #tpu.memory_space<vmem>>, vector<1x16xf32>,
        %get3A_255 = vector.shape_cast %get3A_254 : vector<1x16xf32> to vector<16xf32>
        %mul3A_256 = arith.constant 11.3137083 : f32
        %mul3A_257 = vector.broadcast %mul3A_256 : f32 to vector<16xf32>
        %mul3A_258 = arith.mulf %get3A_255, %mul3A_257 : vector<16xf32>
        %swap3A_259 = arith.index_cast %add3A_251 : i32 to index
        %swap3A_260 = arith.constant 32 : index
        %swap3A_261 = tpu.vector_load %arg9[%swap3A_259, %swap3A_260] {strides = array<i32>} : memref<160x128xf32, #tpu.memory_space<vmem>>, vector<1x16xf32>,
        %swap3A_262 = vector.shape_cast %swap3A_261 : vector<1x16xf32> to vector<16xf32>
        %swap3A_263 = vector.shape_cast %mul3A_258 : vector<16xf32> to vector<1x16xf32>
        tpu.vector_store %arg9[%swap3A_259, %swap3A_260], %swap3A_263 {strides = array<i32>} : memref<160x128xf32, #tpu.memory_space<vmem>>, vector<1x16xf32>,
        %add3A_264 = arith.constant 0 : i32
        %add3A_265 = arith.addi %add3A_223, %add3A_264 : i32
        %get3A_266 = arith.index_cast %add3A_265 : i32 to index
        %get3A_267 = arith.constant 48 : index
        %get3A_268 = tpu.vector_load %arg9[%get3A_266, %get3A_267] {strides = array<i32>} : memref<160x128xf32, #tpu.memory_space<vmem>>, vector<1x16xf32>,
        %get3A_269 = vector.shape_cast %get3A_268 : vector<1x16xf32> to vector<16xf32>
        %mul3A_270 = arith.constant 11.3137083 : f32
        %mul3A_271 = vector.broadcast %mul3A_270 : f32 to vector<16xf32>
        %mul3A_272 = arith.mulf %get3A_269, %mul3A_271 : vector<16xf32>
        %swap3A_273 = arith.index_cast %add3A_265 : i32 to index
        %swap3A_274 = arith.constant 48 : index
        %swap3A_275 = tpu.vector_load %arg9[%swap3A_273, %swap3A_274] {strides = array<i32>} : memref<160x128xf32, #tpu.memory_space<vmem>>, vector<1x16xf32>,
        %swap3A_276 = vector.shape_cast %swap3A_275 : vector<1x16xf32> to vector<16xf32>
        %swap3A_277 = vector.shape_cast %mul3A_272 : vector<16xf32> to vector<1x16xf32>
        tpu.vector_store %arg9[%swap3A_273, %swap3A_274], %swap3A_277 {strides = array<i32>} : memref<160x128xf32, #tpu.memory_space<vmem>>, vector<1x16xf32>,
        %add3A_278 = arith.constant 0 : i32
        %add3A_279 = arith.addi %add3A_223, %add3A_278 : i32
        %get3A_280 = arith.index_cast %add3A_279 : i32 to index
        %get3A_281 = arith.constant 64 : index
        %get3A_282 = tpu.vector_load %arg9[%get3A_280, %get3A_281] {strides = array<i32>} : memref<160x128xf32, #tpu.memory_space<vmem>>, vector<1x16xf32>,
        %get3A_283 = vector.shape_cast %get3A_282 : vector<1x16xf32> to vector<16xf32>
        %mul3A_284 = arith.constant 11.3137083 : f32
        %mul3A_285 = vector.broadcast %mul3A_284 : f32 to vector<16xf32>
        %mul3A_286 = arith.mulf %get3A_283, %mul3A_285 : vector<16xf32>
        %swap3A_287 = arith.index_cast %add3A_279 : i32 to index
        %swap3A_288 = arith.constant 64 : index
        %swap3A_289 = tpu.vector_load %arg9[%swap3A_287, %swap3A_288] {strides = array<i32>} : memref<160x128xf32, #tpu.memory_space<vmem>>, vector<1x16xf32>,
        %swap3A_290 = vector.shape_cast %swap3A_289 : vector<1x16xf32> to vector<16xf32>
        %swap3A_291 = vector.shape_cast %mul3A_286 : vector<16xf32> to vector<1x16xf32>
        tpu.vector_store %arg9[%swap3A_287, %swap3A_288], %swap3A_291 {strides = array<i32>} : memref<160x128xf32, #tpu.memory_space<vmem>>, vector<1x16xf32>,
        %add3A_292 = arith.constant 0 : i32
        %add3A_293 = arith.addi %add3A_223, %add3A_292 : i32
        %get3A_294 = arith.index_cast %add3A_293 : i32 to index
        %get3A_295 = arith.constant 80 : index
        %get3A_296 = tpu.vector_load %arg9[%get3A_294, %get3A_295] {strides = array<i32>} : memref<160x128xf32, #tpu.memory_space<vmem>>, vector<1x16xf32>,
        %get3A_297 = vector.shape_cast %get3A_296 : vector<1x16xf32> to vector<16xf32>
        %mul3A_298 = arith.constant 11.3137083 : f32
        %mul3A_299 = vector.broadcast %mul3A_298 : f32 to vector<16xf32>
        %mul3A_300 = arith.mulf %get3A_297, %mul3A_299 : vector<16xf32>
        %swap3A_301 = arith.index_cast %add3A_293 : i32 to index
        %swap3A_302 = arith.constant 80 : index
        %swap3A_303 = tpu.vector_load %arg9[%swap3A_301, %swap3A_302] {strides = array<i32>} : memref<160x128xf32, #tpu.memory_space<vmem>>, vector<1x16xf32>,
        %swap3A_304 = vector.shape_cast %swap3A_303 : vector<1x16xf32> to vector<16xf32>
        %swap3A_305 = vector.shape_cast %mul3A_300 : vector<16xf32> to vector<1x16xf32>
        tpu.vector_store %arg9[%swap3A_301, %swap3A_302], %swap3A_305 {strides = array<i32>} : memref<160x128xf32, #tpu.memory_space<vmem>>, vector<1x16xf32>,
        %add3A_306 = arith.constant 0 : i32
        %add3A_307 = arith.addi %add3A_223, %add3A_306 : i32
        %get3A_308 = arith.index_cast %add3A_307 : i32 to index
        %get3A_309 = arith.constant 96 : index
        %get3A_310 = tpu.vector_load %arg9[%get3A_308, %get3A_309] {strides = array<i32>} : memref<160x128xf32, #tpu.memory_space<vmem>>, vector<1x16xf32>,
        %get3A_311 = vector.shape_cast %get3A_310 : vector<1x16xf32> to vector<16xf32>
        %mul3A_312 = arith.constant 11.3137083 : f32
        %mul3A_313 = vector.broadcast %mul3A_312 : f32 to vector<16xf32>
        %mul3A_314 = arith.mulf %get3A_311, %mul3A_313 : vector<16xf32>
        %swap3A_315 = arith.index_cast %add3A_307 : i32 to index
        %swap3A_316 = arith.constant 96 : index
        %swap3A_317 = tpu.vector_load %arg9[%swap3A_315, %swap3A_316] {strides = array<i32>} : memref<160x128xf32, #tpu.memory_space<vmem>>, vector<1x16xf32>,
        %swap3A_318 = vector.shape_cast %swap3A_317 : vector<1x16xf32> to vector<16xf32>
        %swap3A_319 = vector.shape_cast %mul3A_314 : vector<16xf32> to vector<1x16xf32>
        tpu.vector_store %arg9[%swap3A_315, %swap3A_316], %swap3A_319 {strides = array<i32>} : memref<160x128xf32, #tpu.memory_space<vmem>>, vector<1x16xf32>,
        %add3A_320 = arith.constant 0 : i32
        %add3A_321 = arith.addi %add3A_223, %add3A_320 : i32
        %get3A_322 = arith.index_cast %add3A_321 : i32 to index
        %get3A_323 = arith.constant 112 : index
        %get3A_324 = tpu.vector_load %arg9[%get3A_322, %get3A_323] {strides = array<i32>} : memref<160x128xf32, #tpu.memory_space<vmem>>, vector<1x16xf32>,
        %get3A_325 = vector.shape_cast %get3A_324 : vector<1x16xf32> to vector<16xf32>
        %mul3A_326 = arith.constant 11.3137083 : f32
        %mul3A_327 = vector.broadcast %mul3A_326 : f32 to vector<16xf32>
        %mul3A_328 = arith.mulf %get3A_325, %mul3A_327 : vector<16xf32>
        %swap3A_329 = arith.index_cast %add3A_321 : i32 to index
        %swap3A_330 = arith.constant 112 : index
        %swap3A_331 = tpu.vector_load %arg9[%swap3A_329, %swap3A_330] {strides = array<i32>} : memref<160x128xf32, #tpu.memory_space<vmem>>, vector<1x16xf32>,
        %swap3A_332 = vector.shape_cast %swap3A_331 : vector<1x16xf32> to vector<16xf32>
        %swap3A_333 = vector.shape_cast %mul3A_328 : vector<16xf32> to vector<1x16xf32>
        tpu.vector_store %arg9[%swap3A_329, %swap3A_330], %swap3A_333 {strides = array<i32>} : memref<160x128xf32, #tpu.memory_space<vmem>>, vector<1x16xf32>,
        %add3A_334 = arith.constant 1 : i32
        %add3A_335 = arith.addi %add3A_223, %add3A_334 : i32
        %get3A_336 = arith.index_cast %add3A_335 : i32 to index
        %get3A_337 = arith.constant 0 : index
        %get3A_338 = tpu.vector_load %arg9[%get3A_336, %get3A_337] {strides = array<i32>} : memref<160x128xf32, #tpu.memory_space<vmem>>, vector<1x16xf32>,
        %get3A_339 = vector.shape_cast %get3A_338 : vector<1x16xf32> to vector<16xf32>
        %mul3A_340 = arith.constant 11.3137083 : f32
        %mul3A_341 = vector.broadcast %mul3A_340 : f32 to vector<16xf32>
        %mul3A_342 = arith.mulf %get3A_339, %mul3A_341 : vector<16xf32>
        %swap3A_343 = arith.index_cast %add3A_335 : i32 to index
        %swap3A_344 = arith.constant 0 : index
        %swap3A_345 = tpu.vector_load %arg9[%swap3A_343, %swap3A_344] {strides = array<i32>} : memref<160x128xf32, #tpu.memory_space<vmem>>, vector<1x16xf32>,
        %swap3A_346 = vector.shape_cast %swap3A_345 : vector<1x16xf32> to vector<16xf32>
        %swap3A_347 = vector.shape_cast %mul3A_342 : vector<16xf32> to vector<1x16xf32>
        tpu.vector_store %arg9[%swap3A_343, %swap3A_344], %swap3A_347 {strides = array<i32>} : memref<160x128xf32, #tpu.memory_space<vmem>>, vector<1x16xf32>,
        %add3A_348 = arith.constant 1 : i32
        %add3A_349 = arith.addi %add3A_223, %add3A_348 : i32
        %get3A_350 = arith.index_cast %add3A_349 : i32 to index
        %get3A_351 = arith.constant 16 : index
        %get3A_352 = tpu.vector_load %arg9[%get3A_350, %get3A_351] {strides = array<i32>} : memref<160x128xf32, #tpu.memory_space<vmem>>, vector<1x16xf32>,
        %get3A_353 = vector.shape_cast %get3A_352 : vector<1x16xf32> to vector<16xf32>
        %mul3A_354 = arith.constant 11.3137083 : f32
        %mul3A_355 = vector.broadcast %mul3A_354 : f32 to vector<16xf32>
        %mul3A_356 = arith.mulf %get3A_353, %mul3A_355 : vector<16xf32>
        %swap3A_357 = arith.index_cast %add3A_349 : i32 to index
        %swap3A_358 = arith.constant 16 : index
        %swap3A_359 = tpu.vector_load %arg9[%swap3A_357, %swap3A_358] {strides = array<i32>} : memref<160x128xf32, #tpu.memory_space<vmem>>, vector<1x16xf32>,
        %swap3A_360 = vector.shape_cast %swap3A_359 : vector<1x16xf32> to vector<16xf32>
        %swap3A_361 = vector.shape_cast %mul3A_356 : vector<16xf32> to vector<1x16xf32>
        tpu.vector_store %arg9[%swap3A_357, %swap3A_358], %swap3A_361 {strides = array<i32>} : memref<160x128xf32, #tpu.memory_space<vmem>>, vector<1x16xf32>,
        %add3A_362 = arith.constant 1 : i32
        %add3A_363 = arith.addi %add3A_223, %add3A_362 : i32
        %get3A_364 = arith.index_cast %add3A_363 : i32 to index
        %get3A_365 = arith.constant 32 : index
        %get3A_366 = tpu.vector_load %arg9[%get3A_364, %get3A_365] {strides = array<i32>} : memref<160x128xf32, #tpu.memory_space<vmem>>, vector<1x16xf32>,
        %get3A_367 = vector.shape_cast %get3A_366 : vector<1x16xf32> to vector<16xf32>
        %mul3A_368 = arith.constant 11.3137083 : f32
        %mul3A_369 = vector.broadcast %mul3A_368 : f32 to vector<16xf32>
        %mul3A_370 = arith.mulf %get3A_367, %mul3A_369 : vector<16xf32>
        %swap3A_371 = arith.index_cast %add3A_363 : i32 to index
        %swap3A_372 = arith.constant 32 : index
        %swap3A_373 = tpu.vector_load %arg9[%swap3A_371, %swap3A_372] {strides = array<i32>} : memref<160x128xf32, #tpu.memory_space<vmem>>, vector<1x16xf32>,
        %swap3A_374 = vector.shape_cast %swap3A_373 : vector<1x16xf32> to vector<16xf32>
        %swap3A_375 = vector.shape_cast %mul3A_370 : vector<16xf32> to vector<1x16xf32>
        tpu.vector_store %arg9[%swap3A_371, %swap3A_372], %swap3A_375 {strides = array<i32>} : memref<160x128xf32, #tpu.memory_space<vmem>>, vector<1x16xf32>,
        %add3A_376 = arith.constant 1 : i32
        %add3A_377 = arith.addi %add3A_223, %add3A_376 : i32
        %get3A_378 = arith.index_cast %add3A_377 : i32 to index
        %get3A_379 = arith.constant 48 : index
        %get3A_380 = tpu.vector_load %arg9[%get3A_378, %get3A_379] {strides = array<i32>} : memref<160x128xf32, #tpu.memory_space<vmem>>, vector<1x16xf32>,
        %get3A_381 = vector.shape_cast %get3A_380 : vector<1x16xf32> to vector<16xf32>
        %mul3A_382 = arith.constant 11.3137083 : f32
        %mul3A_383 = vector.broadcast %mul3A_382 : f32 to vector<16xf32>
        %mul3A_384 = arith.mulf %get3A_381, %mul3A_383 : vector<16xf32>
        %swap3A_385 = arith.index_cast %add3A_377 : i32 to index
        %swap3A_386 = arith.constant 48 : index
        %swap3A_387 = tpu.vector_load %arg9[%swap3A_385, %swap3A_386] {strides = array<i32>} : memref<160x128xf32, #tpu.memory_space<vmem>>, vector<1x16xf32>,
        %swap3A_388 = vector.shape_cast %swap3A_387 : vector<1x16xf32> to vector<16xf32>
        %swap3A_389 = vector.shape_cast %mul3A_384 : vector<16xf32> to vector<1x16xf32>
        tpu.vector_store %arg9[%swap3A_385, %swap3A_386], %swap3A_389 {strides = array<i32>} : memref<160x128xf32, #tpu.memory_space<vmem>>, vector<1x16xf32>,
        %add3A_390 = arith.constant 1 : i32
        %add3A_391 = arith.addi %add3A_223, %add3A_390 : i32
        %get3A_392 = arith.index_cast %add3A_391 : i32 to index
        %get3A_393 = arith.constant 64 : index
        %get3A_394 = tpu.vector_load %arg9[%get3A_392, %get3A_393] {strides = array<i32>} : memref<160x128xf32, #tpu.memory_space<vmem>>, vector<1x16xf32>,
        %get3A_395 = vector.shape_cast %get3A_394 : vector<1x16xf32> to vector<16xf32>
        %mul3A_396 = arith.constant 11.3137083 : f32
        %mul3A_397 = vector.broadcast %mul3A_396 : f32 to vector<16xf32>
        %mul3A_398 = arith.mulf %get3A_395, %mul3A_397 : vector<16xf32>
        %swap3A_399 = arith.index_cast %add3A_391 : i32 to index
        %swap3A_400 = arith.constant 64 : index
        %swap3A_401 = tpu.vector_load %arg9[%swap3A_399, %swap3A_400] {strides = array<i32>} : memref<160x128xf32, #tpu.memory_space<vmem>>, vector<1x16xf32>,
        %swap3A_402 = vector.shape_cast %swap3A_401 : vector<1x16xf32> to vector<16xf32>
        %swap3A_403 = vector.shape_cast %mul3A_398 : vector<16xf32> to vector<1x16xf32>
        tpu.vector_store %arg9[%swap3A_399, %swap3A_400], %swap3A_403 {strides = array<i32>} : memref<160x128xf32, #tpu.memory_space<vmem>>, vector<1x16xf32>,
        %add3A_404 = arith.constant 1 : i32
        %add3A_405 = arith.addi %add3A_223, %add3A_404 : i32
        %get3A_406 = arith.index_cast %add3A_405 : i32 to index
        %get3A_407 = arith.constant 80 : index
        %get3A_408 = tpu.vector_load %arg9[%get3A_406, %get3A_407] {strides = array<i32>} : memref<160x128xf32, #tpu.memory_space<vmem>>, vector<1x16xf32>,
        %get3A_409 = vector.shape_cast %get3A_408 : vector<1x16xf32> to vector<16xf32>
        %mul3A_410 = arith.constant 11.3137083 : f32
        %mul3A_411 = vector.broadcast %mul3A_410 : f32 to vector<16xf32>
        %mul3A_412 = arith.mulf %get3A_409, %mul3A_411 : vector<16xf32>
        %swap3A_413 = arith.index_cast %add3A_405 : i32 to index
        %swap3A_414 = arith.constant 80 : index
        %swap3A_415 = tpu.vector_load %arg9[%swap3A_413, %swap3A_414] {strides = array<i32>} : memref<160x128xf32, #tpu.memory_space<vmem>>, vector<1x16xf32>,
        %swap3A_416 = vector.shape_cast %swap3A_415 : vector<1x16xf32> to vector<16xf32>
        %swap3A_417 = vector.shape_cast %mul3A_412 : vector<16xf32> to vector<1x16xf32>
        tpu.vector_store %arg9[%swap3A_413, %swap3A_414], %swap3A_417 {strides = array<i32>} : memref<160x128xf32, #tpu.memory_space<vmem>>, vector<1x16xf32>,
        %add3A_418 = arith.constant 1 : i32
        %add3A_419 = arith.addi %add3A_223, %add3A_418 : i32
        %get3A_420 = arith.index_cast %add3A_419 : i32 to index
        %get3A_421 = arith.constant 96 : index
        %get3A_422 = tpu.vector_load %arg9[%get3A_420, %get3A_421] {strides = array<i32>} : memref<160x128xf32, #tpu.memory_space<vmem>>, vector<1x16xf32>,
        %get3A_423 = vector.shape_cast %get3A_422 : vector<1x16xf32> to vector<16xf32>
        %mul3A_424 = arith.constant 11.3137083 : f32
        %mul3A_425 = vector.broadcast %mul3A_424 : f32 to vector<16xf32>
        %mul3A_426 = arith.mulf %get3A_423, %mul3A_425 : vector<16xf32>
        %swap3A_427 = arith.index_cast %add3A_419 : i32 to index
        %swap3A_428 = arith.constant 96 : index
        %swap3A_429 = tpu.vector_load %arg9[%swap3A_427, %swap3A_428] {strides = array<i32>} : memref<160x128xf32, #tpu.memory_space<vmem>>, vector<1x16xf32>,
        %swap3A_430 = vector.shape_cast %swap3A_429 : vector<1x16xf32> to vector<16xf32>
        %swap3A_431 = vector.shape_cast %mul3A_426 : vector<16xf32> to vector<1x16xf32>
        tpu.vector_store %arg9[%swap3A_427, %swap3A_428], %swap3A_431 {strides = array<i32>} : memref<160x128xf32, #tpu.memory_space<vmem>>, vector<1x16xf32>,
        %add3A_432 = arith.constant 1 : i32
        %add3A_433 = arith.addi %add3A_223, %add3A_432 : i32
        %get3A_434 = arith.index_cast %add3A_433 : i32 to index
        %get3A_435 = arith.constant 112 : index
        %get3A_436 = tpu.vector_load %arg9[%get3A_434, %get3A_435] {strides = array<i32>} : memref<160x128xf32, #tpu.memory_space<vmem>>, vector<1x16xf32>,
        %get3A_437 = vector.shape_cast %get3A_436 : vector<1x16xf32> to vector<16xf32>
        %mul3A_438 = arith.constant 11.3137083 : f32
        %mul3A_439 = vector.broadcast %mul3A_438 : f32 to vector<16xf32>
        %mul3A_440 = arith.mulf %get3A_437, %mul3A_439 : vector<16xf32>
        %swap3A_441 = arith.index_cast %add3A_433 : i32 to index
        %swap3A_442 = arith.constant 112 : index
        %swap3A_443 = tpu.vector_load %arg9[%swap3A_441, %swap3A_442] {strides = array<i32>} : memref<160x128xf32, #tpu.memory_space<vmem>>, vector<1x16xf32>,
        %swap3A_444 = vector.shape_cast %swap3A_443 : vector<1x16xf32> to vector<16xf32>
        %swap3A_445 = vector.shape_cast %mul3A_440 : vector<16xf32> to vector<1x16xf32>
        tpu.vector_store %arg9[%swap3A_441, %swap3A_442], %swap3A_445 {strides = array<i32>} : memref<160x128xf32, #tpu.memory_space<vmem>>, vector<1x16xf32>,
      }
      %scan3A_167 = arith.constant 80 : i32
      %mul3A_168 = arith.constant 160 : i32
      %mul3A_169 = arith.muli %add3A_156, %mul3A_168 : i32
      %add3A_170 = arith.addi %mul3A_2, %mul3A_169 : i32
      %dma_start3A_171 = arith.constant 0 : i32
      %dma_start3A_172 = tpu.memref_slice %arg4[%add3A_170, %dma_start3A_171] : memref<819200x128xf32, #tpu.memory_space<hbm>> -> memref<160x128xf32, #tpu.memory_space<hbm>>
      %dma_start3A_173 = arith.constant 0 : i32
      %dma_start3A_174 = tpu.memref_slice %arg4[%add3A_170, %dma_start3A_173] : memref<819200x128xf32, #tpu.memory_space<hbm>> -> memref<160x128xf32, #tpu.memory_space<hbm>>
      tpu.enqueue_dma source(%arg9 : memref<160x128xf32, #tpu.memory_space<vmem>>) target(%dma_start3A_174 : memref<160x128xf32, #tpu.memory_space<hbm>>) target_semaphore(%arg19 : memref<!tpu.dma_semaphore, #tpu.memory_space<semaphore_mem>>)
      %sub3A_175 = arith.constant 1 : i32
      %sub3A_176 = arith.subi %add3A_156, %sub3A_175 : i32
      %ge3A_177 = arith.constant 0 : i32
      %ge3A_178 = arith.cmpi sge, %sub3A_176, %ge3A_177 : i32
      %add3A_179 = arith.constant 5 : i32
      %add3A_180 = arith.addi %sub3A_176, %add3A_179 : i32
      %lt3A_181 = arith.constant 160 : i32
      %lt3A_182 = arith.cmpi slt, %add3A_180, %lt3A_181 : i32
      %and3A_183 = arith.andi %ge3A_178, %lt3A_182 : i1
      %convert_element_type3A_184 = arith.extui %and3A_183 : i1 to i32
      %cond3A_185 = arith.constant 0 : i32
      %cond3A_186 = arith.cmpi ne, %convert_element_type3A_184, %cond3A_185 : i32
      scf.if %cond3A_186 {
        %dma_wait3A_219 = arith.constant 0 : i32
        %dma_wait3A_220 = arith.constant 0 : i32
        %dma_wait3A_221 = tpu.memref_slice %arg2[%dma_wait3A_219, %dma_wait3A_220] : memref<1000000x128xf32, #tpu.memory_space<hbm>> -> memref<160x128xf32, #tpu.memory_space<hbm>>
        %dma_wait3A_222 = arith.constant 0 : i32
        %dma_wait3A_223 = arith.constant 0 : i32
        %dma_wait3A_224 = tpu.memref_slice %arg2[%dma_wait3A_222, %dma_wait3A_223] : memref<1000000x128xf32, #tpu.memory_space<hbm>> -> memref<160x128xf32, #tpu.memory_space<hbm>>
        tpu.wait_dma2 semaphore(%arg18 : memref<!tpu.dma_semaphore, #tpu.memory_space<semaphore_mem>>) src(%dma_wait3A_224 : memref<160x128xf32, #tpu.memory_space<hbm>>) dst(%arg8 : memref<160x128xf32, #tpu.memory_space<vmem>>)
        %add3A_225 = arith.constant 5 : i32
        %add3A_226 = arith.addi %sub3A_176, %add3A_225 : i32
        %mul3A_227 = arith.constant 160 : i32
        %mul3A_228 = arith.muli %add3A_226, %mul3A_227 : i32
        %dma_start3A_229 = tpu.memref_slice %arg5[%mul3A_228] : memref<25600xi32, #tpu.memory_space<vmem>> -> memref<160xi32, #tpu.memory_space<vmem>>
        %dma_start3A_230 = arith.constant 0 : i32
        %dma_start3A_231 = arith.constant 0 : i32
        %dma_start3A_232 = tpu.memref_slice %arg2[%dma_start3A_230, %dma_start3A_231] : memref<1000000x128xf32, #tpu.memory_space<hbm>> -> memref<1000000x128xf32, #tpu.memory_space<hbm>>
        tpu.enqueue_indirect_dma source(%dma_start3A_232 : memref<1000000x128xf32, #tpu.memory_space<hbm>>) target(%arg8 : memref<160x128xf32, #tpu.memory_space<vmem>>) offsets(%dma_start3A_229 : memref<160xi32, #tpu.memory_space<vmem>>) semaphore(%arg13 : memref<!tpu.dma_semaphore, #tpu.memory_space<semaphore_mem>>)
      } else {
      }
      %add3A_187 = arith.constant 4 : i32
      %add3A_188 = arith.addi %add3A_64, %add3A_187 : i32
      %dma_wait3A_189 = arith.constant 0 : i32
      %dma_wait3A_190 = arith.constant 0 : i32
      %dma_wait3A_191 = tpu.memref_slice %arg2[%dma_wait3A_189, %dma_wait3A_190] : memref<1000000x128xf32, #tpu.memory_space<hbm>> -> memref<160x128xf32, #tpu.memory_space<hbm>>
      %dma_wait3A_192 = arith.constant 0 : i32
      %dma_wait3A_193 = arith.constant 0 : i32
      %dma_wait3A_194 = tpu.memref_slice %arg2[%dma_wait3A_192, %dma_wait3A_193] : memref<1000000x128xf32, #tpu.memory_space<hbm>> -> memref<160x128xf32, #tpu.memory_space<hbm>>
      tpu.wait_dma2 semaphore(%arg15 : memref<!tpu.dma_semaphore, #tpu.memory_space<semaphore_mem>>) src(%dma_wait3A_194 : memref<160x128xf32, #tpu.memory_space<hbm>>) dst(%arg10 : memref<160x128xf32, #tpu.memory_space<vmem>>)
      %scan3A_195 = arith.constant 0 : i32
      %scan3A_196 = arith.constant 80 : i32
      %scan3A_197 = arith.addi %scan3A_195, %scan3A_196 : i32
      %scan3A_198 = arith.constant 1 : i32
      scf.for %scan3A_219 = %scan3A_195 to %scan3A_197 step %scan3A_198  : i32 {
        %mul3A_220 = arith.constant 2 : i32
        %mul3A_221 = arith.muli %scan3A_219, %mul3A_220 : i32
        %add3A_222 = arith.constant 0 : i32
        %add3A_223 = arith.addi %add3A_222, %mul3A_221 : i32
        %add3A_224 = arith.constant 0 : i32
        %add3A_225 = arith.addi %add3A_223, %add3A_224 : i32
        %get3A = arith.index_cast %add3A_225 : i32 to index
        %get3A_226 = arith.constant 0 : index
        %get3A_227 = tpu.vector_load %arg10[%get3A, %get3A_226] {strides = array<i32>} : memref<160x128xf32, #tpu.memory_space<vmem>>, vector<1x16xf32>,
        %get3A_228 = vector.shape_cast %get3A_227 : vector<1x16xf32> to vector<16xf32>
        %mul3A_229 = arith.constant 11.3137083 : f32
        %mul3A_230 = vector.broadcast %mul3A_229 : f32 to vector<16xf32>
        %mul3A_231 = arith.mulf %get3A_228, %mul3A_230 : vector<16xf32>
        %swap3A = arith.index_cast %add3A_225 : i32 to index
        %swap3A_232 = arith.constant 0 : index
        %swap3A_233 = tpu.vector_load %arg10[%swap3A, %swap3A_232] {strides = array<i32>} : memref<160x128xf32, #tpu.memory_space<vmem>>, vector<1x16xf32>,
        %swap3A_234 = vector.shape_cast %swap3A_233 : vector<1x16xf32> to vector<16xf32>
        %swap3A_235 = vector.shape_cast %mul3A_231 : vector<16xf32> to vector<1x16xf32>
        tpu.vector_store %arg10[%swap3A, %swap3A_232], %swap3A_235 {strides = array<i32>} : memref<160x128xf32, #tpu.memory_space<vmem>>, vector<1x16xf32>,
        %add3A_236 = arith.constant 0 : i32
        %add3A_237 = arith.addi %add3A_223, %add3A_236 : i32
        %get3A_238 = arith.index_cast %add3A_237 : i32 to index
        %get3A_239 = arith.constant 16 : index
        %get3A_240 = tpu.vector_load %arg10[%get3A_238, %get3A_239] {strides = array<i32>} : memref<160x128xf32, #tpu.memory_space<vmem>>, vector<1x16xf32>,
        %get3A_241 = vector.shape_cast %get3A_240 : vector<1x16xf32> to vector<16xf32>
        %mul3A_242 = arith.constant 11.3137083 : f32
        %mul3A_243 = vector.broadcast %mul3A_242 : f32 to vector<16xf32>
        %mul3A_244 = arith.mulf %get3A_241, %mul3A_243 : vector<16xf32>
        %swap3A_245 = arith.index_cast %add3A_237 : i32 to index
        %swap3A_246 = arith.constant 16 : index
        %swap3A_247 = tpu.vector_load %arg10[%swap3A_245, %swap3A_246] {strides = array<i32>} : memref<160x128xf32, #tpu.memory_space<vmem>>, vector<1x16xf32>,
        %swap3A_248 = vector.shape_cast %swap3A_247 : vector<1x16xf32> to vector<16xf32>
        %swap3A_249 = vector.shape_cast %mul3A_244 : vector<16xf32> to vector<1x16xf32>
        tpu.vector_store %arg10[%swap3A_245, %swap3A_246], %swap3A_249 {strides = array<i32>} : memref<160x128xf32, #tpu.memory_space<vmem>>, vector<1x16xf32>,
        %add3A_250 = arith.constant 0 : i32
        %add3A_251 = arith.addi %add3A_223, %add3A_250 : i32
        %get3A_252 = arith.index_cast %add3A_251 : i32 to index
        %get3A_253 = arith.constant 32 : index
        %get3A_254 = tpu.vector_load %arg10[%get3A_252, %get3A_253] {strides = array<i32>} : memref<160x128xf32, #tpu.memory_space<vmem>>, vector<1x16xf32>,
        %get3A_255 = vector.shape_cast %get3A_254 : vector<1x16xf32> to vector<16xf32>
        %mul3A_256 = arith.constant 11.3137083 : f32
        %mul3A_257 = vector.broadcast %mul3A_256 : f32 to vector<16xf32>
        %mul3A_258 = arith.mulf %get3A_255, %mul3A_257 : vector<16xf32>
        %swap3A_259 = arith.index_cast %add3A_251 : i32 to index
        %swap3A_260 = arith.constant 32 : index
        %swap3A_261 = tpu.vector_load %arg10[%swap3A_259, %swap3A_260] {strides = array<i32>} : memref<160x128xf32, #tpu.memory_space<vmem>>, vector<1x16xf32>,
        %swap3A_262 = vector.shape_cast %swap3A_261 : vector<1x16xf32> to vector<16xf32>
        %swap3A_263 = vector.shape_cast %mul3A_258 : vector<16xf32> to vector<1x16xf32>
        tpu.vector_store %arg10[%swap3A_259, %swap3A_260], %swap3A_263 {strides = array<i32>} : memref<160x128xf32, #tpu.memory_space<vmem>>, vector<1x16xf32>,
        %add3A_264 = arith.constant 0 : i32
        %add3A_265 = arith.addi %add3A_223, %add3A_264 : i32
        %get3A_266 = arith.index_cast %add3A_265 : i32 to index
        %get3A_267 = arith.constant 48 : index
        %get3A_268 = tpu.vector_load %arg10[%get3A_266, %get3A_267] {strides = array<i32>} : memref<160x128xf32, #tpu.memory_space<vmem>>, vector<1x16xf32>,
        %get3A_269 = vector.shape_cast %get3A_268 : vector<1x16xf32> to vector<16xf32>
        %mul3A_270 = arith.constant 11.3137083 : f32
        %mul3A_271 = vector.broadcast %mul3A_270 : f32 to vector<16xf32>
        %mul3A_272 = arith.mulf %get3A_269, %mul3A_271 : vector<16xf32>
        %swap3A_273 = arith.index_cast %add3A_265 : i32 to index
        %swap3A_274 = arith.constant 48 : index
        %swap3A_275 = tpu.vector_load %arg10[%swap3A_273, %swap3A_274] {strides = array<i32>} : memref<160x128xf32, #tpu.memory_space<vmem>>, vector<1x16xf32>,
        %swap3A_276 = vector.shape_cast %swap3A_275 : vector<1x16xf32> to vector<16xf32>
        %swap3A_277 = vector.shape_cast %mul3A_272 : vector<16xf32> to vector<1x16xf32>
        tpu.vector_store %arg10[%swap3A_273, %swap3A_274], %swap3A_277 {strides = array<i32>} : memref<160x128xf32, #tpu.memory_space<vmem>>, vector<1x16xf32>,
        %add3A_278 = arith.constant 0 : i32
        %add3A_279 = arith.addi %add3A_223, %add3A_278 : i32
        %get3A_280 = arith.index_cast %add3A_279 : i32 to index
        %get3A_281 = arith.constant 64 : index
        %get3A_282 = tpu.vector_load %arg10[%get3A_280, %get3A_281] {strides = array<i32>} : memref<160x128xf32, #tpu.memory_space<vmem>>, vector<1x16xf32>,
        %get3A_283 = vector.shape_cast %get3A_282 : vector<1x16xf32> to vector<16xf32>
        %mul3A_284 = arith.constant 11.3137083 : f32
        %mul3A_285 = vector.broadcast %mul3A_284 : f32 to vector<16xf32>
        %mul3A_286 = arith.mulf %get3A_283, %mul3A_285 : vector<16xf32>
        %swap3A_287 = arith.index_cast %add3A_279 : i32 to index
        %swap3A_288 = arith.constant 64 : index
        %swap3A_289 = tpu.vector_load %arg10[%swap3A_287, %swap3A_288] {strides = array<i32>} : memref<160x128xf32, #tpu.memory_space<vmem>>, vector<1x16xf32>,
        %swap3A_290 = vector.shape_cast %swap3A_289 : vector<1x16xf32> to vector<16xf32>
        %swap3A_291 = vector.shape_cast %mul3A_286 : vector<16xf32> to vector<1x16xf32>
        tpu.vector_store %arg10[%swap3A_287, %swap3A_288], %swap3A_291 {strides = array<i32>} : memref<160x128xf32, #tpu.memory_space<vmem>>, vector<1x16xf32>,
        %add3A_292 = arith.constant 0 : i32
        %add3A_293 = arith.addi %add3A_223, %add3A_292 : i32
        %get3A_294 = arith.index_cast %add3A_293 : i32 to index
        %get3A_295 = arith.constant 80 : index
        %get3A_296 = tpu.vector_load %arg10[%get3A_294, %get3A_295] {strides = array<i32>} : memref<160x128xf32, #tpu.memory_space<vmem>>, vector<1x16xf32>,
        %get3A_297 = vector.shape_cast %get3A_296 : vector<1x16xf32> to vector<16xf32>
        %mul3A_298 = arith.constant 11.3137083 : f32
        %mul3A_299 = vector.broadcast %mul3A_298 : f32 to vector<16xf32>
        %mul3A_300 = arith.mulf %get3A_297, %mul3A_299 : vector<16xf32>
        %swap3A_301 = arith.index_cast %add3A_293 : i32 to index
        %swap3A_302 = arith.constant 80 : index
        %swap3A_303 = tpu.vector_load %arg10[%swap3A_301, %swap3A_302] {strides = array<i32>} : memref<160x128xf32, #tpu.memory_space<vmem>>, vector<1x16xf32>,
        %swap3A_304 = vector.shape_cast %swap3A_303 : vector<1x16xf32> to vector<16xf32>
        %swap3A_305 = vector.shape_cast %mul3A_300 : vector<16xf32> to vector<1x16xf32>
        tpu.vector_store %arg10[%swap3A_301, %swap3A_302], %swap3A_305 {strides = array<i32>} : memref<160x128xf32, #tpu.memory_space<vmem>>, vector<1x16xf32>,
        %add3A_306 = arith.constant 0 : i32
        %add3A_307 = arith.addi %add3A_223, %add3A_306 : i32
        %get3A_308 = arith.index_cast %add3A_307 : i32 to index
        %get3A_309 = arith.constant 96 : index
        %get3A_310 = tpu.vector_load %arg10[%get3A_308, %get3A_309] {strides = array<i32>} : memref<160x128xf32, #tpu.memory_space<vmem>>, vector<1x16xf32>,
        %get3A_311 = vector.shape_cast %get3A_310 : vector<1x16xf32> to vector<16xf32>
        %mul3A_312 = arith.constant 11.3137083 : f32
        %mul3A_313 = vector.broadcast %mul3A_312 : f32 to vector<16xf32>
        %mul3A_314 = arith.mulf %get3A_311, %mul3A_313 : vector<16xf32>
        %swap3A_315 = arith.index_cast %add3A_307 : i32 to index
        %swap3A_316 = arith.constant 96 : index
        %swap3A_317 = tpu.vector_load %arg10[%swap3A_315, %swap3A_316] {strides = array<i32>} : memref<160x128xf32, #tpu.memory_space<vmem>>, vector<1x16xf32>,
        %swap3A_318 = vector.shape_cast %swap3A_317 : vector<1x16xf32> to vector<16xf32>
        %swap3A_319 = vector.shape_cast %mul3A_314 : vector<16xf32> to vector<1x16xf32>
        tpu.vector_store %arg10[%swap3A_315, %swap3A_316], %swap3A_319 {strides = array<i32>} : memref<160x128xf32, #tpu.memory_space<vmem>>, vector<1x16xf32>,
        %add3A_320 = arith.constant 0 : i32
        %add3A_321 = arith.addi %add3A_223, %add3A_320 : i32
        %get3A_322 = arith.index_cast %add3A_321 : i32 to index
        %get3A_323 = arith.constant 112 : index
        %get3A_324 = tpu.vector_load %arg10[%get3A_322, %get3A_323] {strides = array<i32>} : memref<160x128xf32, #tpu.memory_space<vmem>>, vector<1x16xf32>,
        %get3A_325 = vector.shape_cast %get3A_324 : vector<1x16xf32> to vector<16xf32>
        %mul3A_326 = arith.constant 11.3137083 : f32
        %mul3A_327 = vector.broadcast %mul3A_326 : f32 to vector<16xf32>
        %mul3A_328 = arith.mulf %get3A_325, %mul3A_327 : vector<16xf32>
        %swap3A_329 = arith.index_cast %add3A_321 : i32 to index
        %swap3A_330 = arith.constant 112 : index
        %swap3A_331 = tpu.vector_load %arg10[%swap3A_329, %swap3A_330] {strides = array<i32>} : memref<160x128xf32, #tpu.memory_space<vmem>>, vector<1x16xf32>,
        %swap3A_332 = vector.shape_cast %swap3A_331 : vector<1x16xf32> to vector<16xf32>
        %swap3A_333 = vector.shape_cast %mul3A_328 : vector<16xf32> to vector<1x16xf32>
        tpu.vector_store %arg10[%swap3A_329, %swap3A_330], %swap3A_333 {strides = array<i32>} : memref<160x128xf32, #tpu.memory_space<vmem>>, vector<1x16xf32>,
        %add3A_334 = arith.constant 1 : i32
        %add3A_335 = arith.addi %add3A_223, %add3A_334 : i32
        %get3A_336 = arith.index_cast %add3A_335 : i32 to index
        %get3A_337 = arith.constant 0 : index
        %get3A_338 = tpu.vector_load %arg10[%get3A_336, %get3A_337] {strides = array<i32>} : memref<160x128xf32, #tpu.memory_space<vmem>>, vector<1x16xf32>,
        %get3A_339 = vector.shape_cast %get3A_338 : vector<1x16xf32> to vector<16xf32>
        %mul3A_340 = arith.constant 11.3137083 : f32
        %mul3A_341 = vector.broadcast %mul3A_340 : f32 to vector<16xf32>
        %mul3A_342 = arith.mulf %get3A_339, %mul3A_341 : vector<16xf32>
        %swap3A_343 = arith.index_cast %add3A_335 : i32 to index
        %swap3A_344 = arith.constant 0 : index
        %swap3A_345 = tpu.vector_load %arg10[%swap3A_343, %swap3A_344] {strides = array<i32>} : memref<160x128xf32, #tpu.memory_space<vmem>>, vector<1x16xf32>,
        %swap3A_346 = vector.shape_cast %swap3A_345 : vector<1x16xf32> to vector<16xf32>
        %swap3A_347 = vector.shape_cast %mul3A_342 : vector<16xf32> to vector<1x16xf32>
        tpu.vector_store %arg10[%swap3A_343, %swap3A_344], %swap3A_347 {strides = array<i32>} : memref<160x128xf32, #tpu.memory_space<vmem>>, vector<1x16xf32>,
        %add3A_348 = arith.constant 1 : i32
        %add3A_349 = arith.addi %add3A_223, %add3A_348 : i32
        %get3A_350 = arith.index_cast %add3A_349 : i32 to index
        %get3A_351 = arith.constant 16 : index
        %get3A_352 = tpu.vector_load %arg10[%get3A_350, %get3A_351] {strides = array<i32>} : memref<160x128xf32, #tpu.memory_space<vmem>>, vector<1x16xf32>,
        %get3A_353 = vector.shape_cast %get3A_352 : vector<1x16xf32> to vector<16xf32>
        %mul3A_354 = arith.constant 11.3137083 : f32
        %mul3A_355 = vector.broadcast %mul3A_354 : f32 to vector<16xf32>
        %mul3A_356 = arith.mulf %get3A_353, %mul3A_355 : vector<16xf32>
        %swap3A_357 = arith.index_cast %add3A_349 : i32 to index
        %swap3A_358 = arith.constant 16 : index
        %swap3A_359 = tpu.vector_load %arg10[%swap3A_357, %swap3A_358] {strides = array<i32>} : memref<160x128xf32, #tpu.memory_space<vmem>>, vector<1x16xf32>,
        %swap3A_360 = vector.shape_cast %swap3A_359 : vector<1x16xf32> to vector<16xf32>
        %swap3A_361 = vector.shape_cast %mul3A_356 : vector<16xf32> to vector<1x16xf32>
        tpu.vector_store %arg10[%swap3A_357, %swap3A_358], %swap3A_361 {strides = array<i32>} : memref<160x128xf32, #tpu.memory_space<vmem>>, vector<1x16xf32>,
        %add3A_362 = arith.constant 1 : i32
        %add3A_363 = arith.addi %add3A_223, %add3A_362 : i32
        %get3A_364 = arith.index_cast %add3A_363 : i32 to index
        %get3A_365 = arith.constant 32 : index
        %get3A_366 = tpu.vector_load %arg10[%get3A_364, %get3A_365] {strides = array<i32>} : memref<160x128xf32, #tpu.memory_space<vmem>>, vector<1x16xf32>,
        %get3A_367 = vector.shape_cast %get3A_366 : vector<1x16xf32> to vector<16xf32>
        %mul3A_368 = arith.constant 11.3137083 : f32
        %mul3A_369 = vector.broadcast %mul3A_368 : f32 to vector<16xf32>
        %mul3A_370 = arith.mulf %get3A_367, %mul3A_369 : vector<16xf32>
        %swap3A_371 = arith.index_cast %add3A_363 : i32 to index
        %swap3A_372 = arith.constant 32 : index
        %swap3A_373 = tpu.vector_load %arg10[%swap3A_371, %swap3A_372] {strides = array<i32>} : memref<160x128xf32, #tpu.memory_space<vmem>>, vector<1x16xf32>,
        %swap3A_374 = vector.shape_cast %swap3A_373 : vector<1x16xf32> to vector<16xf32>
        %swap3A_375 = vector.shape_cast %mul3A_370 : vector<16xf32> to vector<1x16xf32>
        tpu.vector_store %arg10[%swap3A_371, %swap3A_372], %swap3A_375 {strides = array<i32>} : memref<160x128xf32, #tpu.memory_space<vmem>>, vector<1x16xf32>,
        %add3A_376 = arith.constant 1 : i32
        %add3A_377 = arith.addi %add3A_223, %add3A_376 : i32
        %get3A_378 = arith.index_cast %add3A_377 : i32 to index
        %get3A_379 = arith.constant 48 : index
        %get3A_380 = tpu.vector_load %arg10[%get3A_378, %get3A_379] {strides = array<i32>} : memref<160x128xf32, #tpu.memory_space<vmem>>, vector<1x16xf32>,
        %get3A_381 = vector.shape_cast %get3A_380 : vector<1x16xf32> to vector<16xf32>
        %mul3A_382 = arith.constant 11.3137083 : f32
        %mul3A_383 = vector.broadcast %mul3A_382 : f32 to vector<16xf32>
        %mul3A_384 = arith.mulf %get3A_381, %mul3A_383 : vector<16xf32>
        %swap3A_385 = arith.index_cast %add3A_377 : i32 to index
        %swap3A_386 = arith.constant 48 : index
        %swap3A_387 = tpu.vector_load %arg10[%swap3A_385, %swap3A_386] {strides = array<i32>} : memref<160x128xf32, #tpu.memory_space<vmem>>, vector<1x16xf32>,
        %swap3A_388 = vector.shape_cast %swap3A_387 : vector<1x16xf32> to vector<16xf32>
        %swap3A_389 = vector.shape_cast %mul3A_384 : vector<16xf32> to vector<1x16xf32>
        tpu.vector_store %arg10[%swap3A_385, %swap3A_386], %swap3A_389 {strides = array<i32>} : memref<160x128xf32, #tpu.memory_space<vmem>>, vector<1x16xf32>,
        %add3A_390 = arith.constant 1 : i32
        %add3A_391 = arith.addi %add3A_223, %add3A_390 : i32
        %get3A_392 = arith.index_cast %add3A_391 : i32 to index
        %get3A_393 = arith.constant 64 : index
        %get3A_394 = tpu.vector_load %arg10[%get3A_392, %get3A_393] {strides = array<i32>} : memref<160x128xf32, #tpu.memory_space<vmem>>, vector<1x16xf32>,
        %get3A_395 = vector.shape_cast %get3A_394 : vector<1x16xf32> to vector<16xf32>
        %mul3A_396 = arith.constant 11.3137083 : f32
        %mul3A_397 = vector.broadcast %mul3A_396 : f32 to vector<16xf32>
        %mul3A_398 = arith.mulf %get3A_395, %mul3A_397 : vector<16xf32>
        %swap3A_399 = arith.index_cast %add3A_391 : i32 to index
        %swap3A_400 = arith.constant 64 : index
        %swap3A_401 = tpu.vector_load %arg10[%swap3A_399, %swap3A_400] {strides = array<i32>} : memref<160x128xf32, #tpu.memory_space<vmem>>, vector<1x16xf32>,
        %swap3A_402 = vector.shape_cast %swap3A_401 : vector<1x16xf32> to vector<16xf32>
        %swap3A_403 = vector.shape_cast %mul3A_398 : vector<16xf32> to vector<1x16xf32>
        tpu.vector_store %arg10[%swap3A_399, %swap3A_400], %swap3A_403 {strides = array<i32>} : memref<160x128xf32, #tpu.memory_space<vmem>>, vector<1x16xf32>,
        %add3A_404 = arith.constant 1 : i32
        %add3A_405 = arith.addi %add3A_223, %add3A_404 : i32
        %get3A_406 = arith.index_cast %add3A_405 : i32 to index
        %get3A_407 = arith.constant 80 : index
        %get3A_408 = tpu.vector_load %arg10[%get3A_406, %get3A_407] {strides = array<i32>} : memref<160x128xf32, #tpu.memory_space<vmem>>, vector<1x16xf32>,
        %get3A_409 = vector.shape_cast %get3A_408 : vector<1x16xf32> to vector<16xf32>
        %mul3A_410 = arith.constant 11.3137083 : f32
        %mul3A_411 = vector.broadcast %mul3A_410 : f32 to vector<16xf32>
        %mul3A_412 = arith.mulf %get3A_409, %mul3A_411 : vector<16xf32>
        %swap3A_413 = arith.index_cast %add3A_405 : i32 to index
        %swap3A_414 = arith.constant 80 : index
        %swap3A_415 = tpu.vector_load %arg10[%swap3A_413, %swap3A_414] {strides = array<i32>} : memref<160x128xf32, #tpu.memory_space<vmem>>, vector<1x16xf32>,
        %swap3A_416 = vector.shape_cast %swap3A_415 : vector<1x16xf32> to vector<16xf32>
        %swap3A_417 = vector.shape_cast %mul3A_412 : vector<16xf32> to vector<1x16xf32>
        tpu.vector_store %arg10[%swap3A_413, %swap3A_414], %swap3A_417 {strides = array<i32>} : memref<160x128xf32, #tpu.memory_space<vmem>>, vector<1x16xf32>,
        %add3A_418 = arith.constant 1 : i32
        %add3A_419 = arith.addi %add3A_223, %add3A_418 : i32
        %get3A_420 = arith.index_cast %add3A_419 : i32 to index
        %get3A_421 = arith.constant 96 : index
        %get3A_422 = tpu.vector_load %arg10[%get3A_420, %get3A_421] {strides = array<i32>} : memref<160x128xf32, #tpu.memory_space<vmem>>, vector<1x16xf32>,
        %get3A_423 = vector.shape_cast %get3A_422 : vector<1x16xf32> to vector<16xf32>
        %mul3A_424 = arith.constant 11.3137083 : f32
        %mul3A_425 = vector.broadcast %mul3A_424 : f32 to vector<16xf32>
        %mul3A_426 = arith.mulf %get3A_423, %mul3A_425 : vector<16xf32>
        %swap3A_427 = arith.index_cast %add3A_419 : i32 to index
        %swap3A_428 = arith.constant 96 : index
        %swap3A_429 = tpu.vector_load %arg10[%swap3A_427, %swap3A_428] {strides = array<i32>} : memref<160x128xf32, #tpu.memory_space<vmem>>, vector<1x16xf32>,
        %swap3A_430 = vector.shape_cast %swap3A_429 : vector<1x16xf32> to vector<16xf32>
        %swap3A_431 = vector.shape_cast %mul3A_426 : vector<16xf32> to vector<1x16xf32>
        tpu.vector_store %arg10[%swap3A_427, %swap3A_428], %swap3A_431 {strides = array<i32>} : memref<160x128xf32, #tpu.memory_space<vmem>>, vector<1x16xf32>,
        %add3A_432 = arith.constant 1 : i32
        %add3A_433 = arith.addi %add3A_223, %add3A_432 : i32
        %get3A_434 = arith.index_cast %add3A_433 : i32 to index
        %get3A_435 = arith.constant 112 : index
        %get3A_436 = tpu.vector_load %arg10[%get3A_434, %get3A_435] {strides = array<i32>} : memref<160x128xf32, #tpu.memory_space<vmem>>, vector<1x16xf32>,
        %get3A_437 = vector.shape_cast %get3A_436 : vector<1x16xf32> to vector<16xf32>
        %mul3A_438 = arith.constant 11.3137083 : f32
        %mul3A_439 = vector.broadcast %mul3A_438 : f32 to vector<16xf32>
        %mul3A_440 = arith.mulf %get3A_437, %mul3A_439 : vector<16xf32>
        %swap3A_441 = arith.index_cast %add3A_433 : i32 to index
        %swap3A_442 = arith.constant 112 : index
        %swap3A_443 = tpu.vector_load %arg10[%swap3A_441, %swap3A_442] {strides = array<i32>} : memref<160x128xf32, #tpu.memory_space<vmem>>, vector<1x16xf32>,
        %swap3A_444 = vector.shape_cast %swap3A_443 : vector<1x16xf32> to vector<16xf32>
        %swap3A_445 = vector.shape_cast %mul3A_440 : vector<16xf32> to vector<1x16xf32>
        tpu.vector_store %arg10[%swap3A_441, %swap3A_442], %swap3A_445 {strides = array<i32>} : memref<160x128xf32, #tpu.memory_space<vmem>>, vector<1x16xf32>,
      }
      %scan3A_199 = arith.constant 80 : i32
      %mul3A_200 = arith.constant 160 : i32
      %mul3A_201 = arith.muli %add3A_188, %mul3A_200 : i32
      %add3A_202 = arith.addi %mul3A_2, %mul3A_201 : i32
      %dma_start3A_203 = arith.constant 0 : i32
      %dma_start3A_204 = tpu.memref_slice %arg4[%add3A_202, %dma_start3A_203] : memref<819200x128xf32, #tpu.memory_space<hbm>> -> memref<160x128xf32, #tpu.memory_space<hbm>>
      %dma_start3A_205 = arith.constant 0 : i32
      %dma_start3A_206 = tpu.memref_slice %arg4[%add3A_202, %dma_start3A_205] : memref<819200x128xf32, #tpu.memory_space<hbm>> -> memref<160x128xf32, #tpu.memory_space<hbm>>
      tpu.enqueue_dma source(%arg10 : memref<160x128xf32, #tpu.memory_space<vmem>>) target(%dma_start3A_206 : memref<160x128xf32, #tpu.memory_space<hbm>>) target_semaphore(%arg20 : memref<!tpu.dma_semaphore, #tpu.memory_space<semaphore_mem>>)
      %sub3A_207 = arith.constant 1 : i32
      %sub3A_208 = arith.subi %add3A_188, %sub3A_207 : i32
      %ge3A_209 = arith.constant 0 : i32
      %ge3A_210 = arith.cmpi sge, %sub3A_208, %ge3A_209 : i32
      %add3A_211 = arith.constant 5 : i32
      %add3A_212 = arith.addi %sub3A_208, %add3A_211 : i32
      %lt3A_213 = arith.constant 160 : i32
      %lt3A_214 = arith.cmpi slt, %add3A_212, %lt3A_213 : i32
      %and3A_215 = arith.andi %ge3A_210, %lt3A_214 : i1
      %convert_element_type3A_216 = arith.extui %and3A_215 : i1 to i32
      %cond3A_217 = arith.constant 0 : i32
      %cond3A_218 = arith.cmpi ne, %convert_element_type3A_216, %cond3A_217 : i32
      scf.if %cond3A_218 {
        %dma_wait3A_219 = arith.constant 0 : i32
        %dma_wait3A_220 = arith.constant 0 : i32
        %dma_wait3A_221 = tpu.memref_slice %arg2[%dma_wait3A_219, %dma_wait3A_220] : memref<1000000x128xf32, #tpu.memory_space<hbm>> -> memref<160x128xf32, #tpu.memory_space<hbm>>
        %dma_wait3A_222 = arith.constant 0 : i32
        %dma_wait3A_223 = arith.constant 0 : i32
        %dma_wait3A_224 = tpu.memref_slice %arg2[%dma_wait3A_222, %dma_wait3A_223] : memref<1000000x128xf32, #tpu.memory_space<hbm>> -> memref<160x128xf32, #tpu.memory_space<hbm>>
        tpu.wait_dma2 semaphore(%arg19 : memref<!tpu.dma_semaphore, #tpu.memory_space<semaphore_mem>>) src(%dma_wait3A_224 : memref<160x128xf32, #tpu.memory_space<hbm>>) dst(%arg9 : memref<160x128xf32, #tpu.memory_space<vmem>>)
        %add3A_225 = arith.constant 5 : i32
        %add3A_226 = arith.addi %sub3A_208, %add3A_225 : i32
        %mul3A_227 = arith.constant 160 : i32
        %mul3A_228 = arith.muli %add3A_226, %mul3A_227 : i32
        %dma_start3A_229 = tpu.memref_slice %arg5[%mul3A_228] : memref<25600xi32, #tpu.memory_space<vmem>> -> memref<160xi32, #tpu.memory_space<vmem>>
        %dma_start3A_230 = arith.constant 0 : i32
        %dma_start3A_231 = arith.constant 0 : i32
        %dma_start3A_232 = tpu.memref_slice %arg2[%dma_start3A_230, %dma_start3A_231] : memref<1000000x128xf32, #tpu.memory_space<hbm>> -> memref<1000000x128xf32, #tpu.memory_space<hbm>>
        tpu.enqueue_indirect_dma source(%dma_start3A_232 : memref<1000000x128xf32, #tpu.memory_space<hbm>>) target(%arg9 : memref<160x128xf32, #tpu.memory_space<vmem>>) offsets(%dma_start3A_229 : memref<160xi32, #tpu.memory_space<vmem>>) semaphore(%arg14 : memref<!tpu.dma_semaphore, #tpu.memory_space<semaphore_mem>>)
      } else {
      }
    }
    %scan3A_30 = arith.constant 32 : i32
    %dma_wait3A = arith.constant 0 : i32
    %dma_wait3A_31 = arith.constant 0 : i32
    %dma_wait3A_32 = tpu.memref_slice %arg2[%dma_wait3A, %dma_wait3A_31] : memref<1000000x128xf32, #tpu.memory_space<hbm>> -> memref<160x128xf32, #tpu.memory_space<hbm>>
    %dma_wait3A_33 = arith.constant 0 : i32
    %dma_wait3A_34 = arith.constant 0 : i32
    %dma_wait3A_35 = tpu.memref_slice %arg2[%dma_wait3A_33, %dma_wait3A_34] : memref<1000000x128xf32, #tpu.memory_space<hbm>> -> memref<160x128xf32, #tpu.memory_space<hbm>>
    tpu.wait_dma2 semaphore(%arg16 : memref<!tpu.dma_semaphore, #tpu.memory_space<semaphore_mem>>) src(%dma_wait3A_35 : memref<160x128xf32, #tpu.memory_space<hbm>>) dst(%arg6 : memref<160x128xf32, #tpu.memory_space<vmem>>)
    %dma_wait3A_36 = arith.constant 0 : i32
    %dma_wait3A_37 = arith.constant 0 : i32
    %dma_wait3A_38 = tpu.memref_slice %arg2[%dma_wait3A_36, %dma_wait3A_37] : memref<1000000x128xf32, #tpu.memory_space<hbm>> -> memref<160x128xf32, #tpu.memory_space<hbm>>
    %dma_wait3A_39 = arith.constant 0 : i32
    %dma_wait3A_40 = arith.constant 0 : i32
    %dma_wait3A_41 = tpu.memref_slice %arg2[%dma_wait3A_39, %dma_wait3A_40] : memref<1000000x128xf32, #tpu.memory_space<hbm>> -> memref<160x128xf32, #tpu.memory_space<hbm>>
    tpu.wait_dma2 semaphore(%arg17 : memref<!tpu.dma_semaphore, #tpu.memory_space<semaphore_mem>>) src(%dma_wait3A_41 : memref<160x128xf32, #tpu.memory_space<hbm>>) dst(%arg7 : memref<160x128xf32, #tpu.memory_space<vmem>>)
    %dma_wait3A_42 = arith.constant 0 : i32
    %dma_wait3A_43 = arith.constant 0 : i32
    %dma_wait3A_44 = tpu.memref_slice %arg2[%dma_wait3A_42, %dma_wait3A_43] : memref<1000000x128xf32, #tpu.memory_space<hbm>> -> memref<160x128xf32, #tpu.memory_space<hbm>>
    %dma_wait3A_45 = arith.constant 0 : i32
    %dma_wait3A_46 = arith.constant 0 : i32
    %dma_wait3A_47 = tpu.memref_slice %arg2[%dma_wait3A_45, %dma_wait3A_46] : memref<1000000x128xf32, #tpu.memory_space<hbm>> -> memref<160x128xf32, #tpu.memory_space<hbm>>
    tpu.wait_dma2 semaphore(%arg18 : memref<!tpu.dma_semaphore, #tpu.memory_space<semaphore_mem>>) src(%dma_wait3A_47 : memref<160x128xf32, #tpu.memory_space<hbm>>) dst(%arg8 : memref<160x128xf32, #tpu.memory_space<vmem>>)
    %dma_wait3A_48 = arith.constant 0 : i32
    %dma_wait3A_49 = arith.constant 0 : i32
    %dma_wait3A_50 = tpu.memref_slice %arg2[%dma_wait3A_48, %dma_wait3A_49] : memref<1000000x128xf32, #tpu.memory_space<hbm>> -> memref<160x128xf32, #tpu.memory_space<hbm>>
    %dma_wait3A_51 = arith.constant 0 : i32
    %dma_wait3A_52 = arith.constant 0 : i32
    %dma_wait3A_53 = tpu.memref_slice %arg2[%dma_wait3A_51, %dma_wait3A_52] : memref<1000000x128xf32, #tpu.memory_space<hbm>> -> memref<160x128xf32, #tpu.memory_space<hbm>>
    tpu.wait_dma2 semaphore(%arg19 : memref<!tpu.dma_semaphore, #tpu.memory_space<semaphore_mem>>) src(%dma_wait3A_53 : memref<160x128xf32, #tpu.memory_space<hbm>>) dst(%arg9 : memref<160x128xf32, #tpu.memory_space<vmem>>)
    %dma_wait3A_54 = arith.constant 0 : i32
    %dma_wait3A_55 = arith.constant 0 : i32
    %dma_wait3A_56 = tpu.memref_slice %arg2[%dma_wait3A_54, %dma_wait3A_55] : memref<1000000x128xf32, #tpu.memory_space<hbm>> -> memref<160x128xf32, #tpu.memory_space<hbm>>
    %dma_wait3A_57 = arith.constant 0 : i32
    %dma_wait3A_58 = arith.constant 0 : i32
    %dma_wait3A_59 = tpu.memref_slice %arg2[%dma_wait3A_57, %dma_wait3A_58] : memref<1000000x128xf32, #tpu.memory_space<hbm>> -> memref<160x128xf32, #tpu.memory_space<hbm>>
    tpu.wait_dma2 semaphore(%arg20 : memref<!tpu.dma_semaphore, #tpu.memory_space<semaphore_mem>>) src(%dma_wait3A_59 : memref<160x128xf32, #tpu.memory_space<hbm>>) dst(%arg10 : memref<160x128xf32, #tpu.memory_space<vmem>>)
    return
  }
}

</mosaic_0001>

<sc_bundles>
// kernel: kernel.3.cloned.1.call-start
scs
__scs_entry_jumppad:
0x0: {  	(pc) =	sbr.rel $0x88, $3  }
0x1: {  	(tag) =	ssettag $0x0;
	lr =	simm.s32 $0x1  }
0x2: {  	[smem:$0x3F9F] =	sst lr;
	_ =	strace $0xD0000000  }
0x3: {  	_ = 	snop  }
0x4: {  	_ = 	snop  }
0x5: {  	_ = 	snop  }
0x6: {  	_ = 	snop  }
0x7: {  	_ = 	snop  }
__scs_overlays_trampoline_lowered:
0x8: {  	[smem:$0x3FAE] =	sst s0  }
0x9: {  	[smem:$0x3FAF] =	sst s1  }
0xa: {  	[smem:$0x3FB0] =	sst s2  }
0xb: {  	[smem:$0x3FB1] =	sst s3  }
0xc: {  	[smem:$0x3FB2] =	sst s4  }
0xd: {  	[smem:$0x3FB3] =	sst s5  }
0xe: {  	[smem:$0x3FB4] =	sst s6  }
0xf: {  	[smem:$0x3FB5] =	sst s7  }
0x10: {  	[smem:$0x3FB6] =	sst s8  }
0x11: {  	[smem:$0x3FB7] =	sst s9;
	s0 =	simm.s32 @!p0 $0x0  }
0x12: {  	s1 =	sld [smem:$0x3F9D];
	s0 =	simm.s32 @p0 $0x1  }
0x13: {  	[smem:$0x3FB8] =	sst s0;
	s0 =	simm.s32 @!p1 $0x0  }
0x14: {  	s2 =	sld [smem:$0x3F9C];
	s0 =	simm.s32 @p1 $0x1  }
0x15: {  	[smem:$0x3FB9] =	sst s0;
	s0 =	simm.s32 @!p2 $0x0  }
0x16: {  	s3 =	sld [smem:$0x3FDB];
	s0 =	simm.s32 @p2 $0x1  }
0x17: {  	s4 =	simm.s32 $0x1BF5;
	[smem:$0x3FBB] =	sst s0  }
0x18: {  	s0 =	sld [smem:$0x3F9E];
	_ =	swait.ge [sflag:s4], $0x0  }
0x19: {  	s7 =	sld [smem:$0x3F9F]  }
0x1a: {  	s8 =	sadd.s32 $0xFFFFE003, lr  }
0x1b: {  	s9 =	sadd.s32 $0xFFFFFEF7, lr;
	s5 =	simm.s32 $0xFFFFFFFF;
	p2 =	slt.u32 s8, $0xFFFFF086  }
0x1c: {  	p1 =	slt.u32 s9, $0xF7A;
	s5 =	simm.s32 @!p2 $0x0  }
0x1d: {  	s5 =	simm.s32 @p1 $0x1;
	p0 =	seq.s32 s7, s2  }
0x1e: {  	s7 =	smul.u32 @!p0 $0xF7A, s2;
	p2 =	seq.s32 @!p0 s5, $0x0  }
0x1f: {  	s9 =	smul.u32 $0xF7A, s1;
	s8 =	simm.s32 @!p0 $0x1BF5;
	p2 =	por !p2, p0  }
0x20: {  	[sflag:s8] =	ssyncset.s32 @!p0 $0xFFFFF086;
	s6 =	sadd.s32 @!p0 s3, s7;
	s7 =	simm.s32 @!p0 $0x108  }
0x21: {  	s3 =	sadd.s32 s3, s9;
	s6 =	sadd.s32 @!p0 $0x88, s6;
	s7 =	simm.s32 @p2 $0x1082  }
0x22: {  	[simem:s7], [sflag:s8] =	dma.local @!p0 [hbm:s6], $0xF7A  }
0x23: {  	s9 =	sor.u32 $0xD0000000, s2;
	s6 =	simm.s32 $0x108;
	_ =	swait.ge @!p0 [sflag:s8], $0x0  }
0x24: {  	s3 =	sadd.s32 $0x88, s3;
	s6 =	simm.s32 @!p1 $0x1082;
	[sflag:s4] =	ssyncset.s32 $0xFFFFF086  }
0x25: {  	[simem:s6], [sflag:s4] =	dma.local [hbm:s3], $0xF7A  }
0x26: {  	[smem:$0x3F9F] =	sst s1;
	(tag) =	ssettag s2;
	_ =	strace s9  }
0x27: {  	s1 =	sld [smem:$0x3FAF]  }
0x28: {  	s2 =	sld [smem:$0x3FB0]  }
0x29: {  	s4 =	sld [smem:$0x3FB2]  }
0x2a: {  	p0 =	seq.s32 s5, $0x0;
	s5 =	sld [smem:$0x3FB3]  }
0x2b: {  	s6 =	sld [smem:$0x3FB4]  }
0x2c: {  	s7 =	sld [smem:$0x3FB5]  }
0x2d: {  	s3 =	simm.s32 $0x108;
	s8 =	sld [smem:$0x3FB6]  }
0x2e: {  	s3 =	simm.s32 @!p0 $0x1082;
	s9 =	sld [smem:$0x3FB7]  }
0x2f: {  	lr =	sadd.s32 s0, s3;
	s0 =	sld [smem:$0x3FAE]  }
0x30: {  	s3 =	sld [smem:$0x3FB1]  }
0x31: {  	[smem:$0x3FBA] =	sst s10  }
0x32: {  	s10 =	sld [smem:$0x3FB8];
	_ =	sdelay $0x3  }
0x33: {  	p0 =	seq.s32 s10, $0x1;
	s10 =	sld [smem:$0x3FBA];
	_ =	sdelay $0x3  }
0x34: {  	[smem:$0x3FBA] =	sst s10  }
0x35: {  	s10 =	sld [smem:$0x3FB9];
	_ =	sdelay $0x3  }
0x36: {  	p1 =	seq.s32 s10, $0x1;
	s10 =	sld [smem:$0x3FBA];
	_ =	sdelay $0x3  }
0x37: {  	[smem:$0x3FBA] =	sst s10  }
0x38: {  	s10 =	sld [smem:$0x3FBB]  }
0x39: {  	_ = 	snop;
	(pc) =	sbr.ind lr, $3  }
0x3a: {  	_ = 	snop  }
0x3b: {  	_ = 	snop  }
0x3c: {  	p2 =	seq.s32 s10, $0x1;
	s10 =	sld [smem:$0x3FBA]  }
0x3d: {  	_ =	shalt  }
0x3e: {  	_ =	shalt  }
0x3f: {  	_ =	shalt  }
0x40: {  	_ =	shalt  }
0x41: {  	_ =	shalt  }
0x42: {  	_ =	shalt  }
0x43: {  	_ =	shalt  }
0x44: {  	_ =	shalt  }
0x45: {  	_ =	shalt  }
0x46: {  	_ =	shalt  }
0x47: {  	_ =	shalt  }
0x48: {  	_ =	shalt  }
0x49: {  	_ =	shalt  }
0x4a: {  	_ =	shalt  }
0x4b: {  	_ =	shalt  }
0x4c: {  	_ =	shalt  }
0x4d: {  	_ =	shalt  }
0x4e: {  	_ =	shalt  }
0x4f: {  	_ =	shalt  }
0x50: {  	_ =	shalt  }
0x51: {  	_ =	shalt  }
0x52: {  	_ =	shalt  }
0x53: {  	_ =	shalt  }
0x54: {  	_ =	shalt  }
0x55: {  	_ =	shalt  }
0x56: {  	_ =	shalt  }
0x57: {  	_ =	shalt  }
0x58: {  	_ =	shalt  }
0x59: {  	_ =	shalt  }
0x5a: {  	_ =	shalt  }
0x5b: {  	_ =	shalt  }
0x5c: {  	_ =	shalt  }
0x5d: {  	_ =	shalt  }
0x5e: {  	_ =	shalt  }
0x5f: {  	_ =	shalt  }
0x60: {  	_ =	shalt  }
0x61: {  	_ =	shalt  }
0x62: {  	_ =	shalt  }
0x63: {  	_ =	shalt  }
0x64: {  	_ =	shalt  }
0x65: {  	_ =	shalt  }
0x66: {  	_ =	shalt  }
0x67: {  	_ =	shalt  }
0x68: {  	_ =	shalt  }
0x69: {  	_ =	shalt  }
0x6a: {  	_ =	shalt  }
0x6b: {  	_ =	shalt  }
0x6c: {  	_ =	shalt  }
0x6d: {  	_ =	shalt  }
0x6e: {  	_ =	shalt  }
0x6f: {  	_ =	shalt  }
0x70: {  	_ =	shalt  }
0x71: {  	_ =	shalt  }
0x72: {  	_ =	shalt  }
0x73: {  	_ =	shalt  }
0x74: {  	_ =	shalt  }
0x75: {  	_ =	shalt  }
0x76: {  	_ =	shalt  }
0x77: {  	_ =	shalt  }
0x78: {  	_ =	shalt  }
0x79: {  	_ =	shalt  }
0x7a: {  	_ =	shalt  }
0x7b: {  	_ =	shalt  }
0x7c: {  	_ =	shalt  }
0x7d: {  	_ =	shalt  }
0x7e: {  	_ =	shalt  }
0x7f: {  	_ =	shalt  }
0x80: {  	_ =	shalt  }
0x81: {  	_ =	shalt  }
0x82: {  	_ =	shalt  }
0x83: {  	_ =	shalt  }
0x84: {  	_ =	shalt  }
0x85: {  	_ =	shalt  }
0x86: {  	_ =	shalt  }
0x87: {  	_ =	shalt  }
.Lfunc_end0:
.L_simem_size_0:
called_computation_lowered:
.L_overlay_start_0:
0x88: {  	s2 =	sld [smem:$0x3FD9]  }
0x89: {  	s3 =	sld [smem:$0x3FFE];
	_ =	sdelay $0x1  }
0x8a: {  	s1 =	srdreg.scid  }
0x8b: {  	s0 =	sand.u32 $0x1, s1  }
0x8c: {  	s17 =	sshll.u32 s0, $0xA;
	s2 =	sadd.s32 s3, s2  }
0x8d: {  	s2 =	sadd.s32 s2, s17  }
0x8e: {  	[smem:$0x3FC6] =	sst s2  }
0x8f: {  	_ = 	snop  }
0x90: {  	s2 =	sld [smem:$0x3FC8]  }
0x91: {  	s18 =	sld [smem:$0x3FD0];
	(tm) =	ssettm $0x1  }
0x92: {  	s4 =	sld [smem:$0x3FFB];
	_ =	sdelay $0x3  }
0x93: {  	_ =	strace s4  }
0x94: {  	s4 =	sld [smem:$0x3FFC];
	_ =	sdelay $0x3  }
0x95: {  	_ =	strace s4  }
0x96: {  	s4 =	sld [smem:$0x3FFD];
	_ =	sdelay $0x3  }
0x97: {  	_ =	strace s4  }
0x98: {  	_ =	strace $0x8FFFFFFF  }
0x99: {  	s19 =	sld [smem:$0x3FDB];
	_ =	sdelay $0x1  }
0x9a: {  	s5 =	simm.s32 $_scs_section_size  }
0x9b: {  	s6 =	simm.s32 $_size__tile_overlayer_lowered;
	s7 =	simm.s32 $_tile_overlayer_lowered  }
0x9c: {  	s22 =	simm.s32 $0x1BFF;
	s21 =	sshll.u32 s7, $0x1;
	s4 =	sadd.s32 s5, s19  }
0x9d: {  	s8 =	simm.s32 $0x0;
	s20 =	sshll.u32 s6, $0x1;
	s6 =	sadd.s32 s21, s4  }
0x9e: {  	[timem:s8], [sflag:s22] =	dma.local [hbm:s6], s20  }
0x9f: {  	_ =	swait.ge [sflag:s22], s20  }
0xa0: {  	s5 =	ssub.s32 $0x0, s20;
	[sflag:s22] =	ssyncset.done $0x0  }
0xa1: {  	[sflag:s22] =	ssyncadd.s32 s5;
	_ =	sdelay $0x1  }
0xa2: {  	s23 =	simm.s32 $0x1B8B  }
0xa3: {  	_ =	swait.ge [sflag:s23], $0x1  }
0xa4: {  	[sflag:s23] =	ssyncset.done $0x0  }
0xa5: {  	s25 =	simm.s32 $0x1B8E;
	s24 =	sld [smem:$0x3FFE];
	[sflag:s23] =	ssyncadd.s32 $0xFFFFFFFF  }
0xa6: {  	s26 =	simm.s32 $execute0_lowered;
	[smem:$0x3FD2] =	sst s25  }
0xa7: {  	s6 =	sshll.u32 s26, $0x1;
	_ =	strace $0x80000046;
	[dreg:$0x1] =	wrdreg $0xFFFFFFFF  }
0xa8: {  	s28 =	simm.s32 $_size_execute0_lowered;
	s4 =	sadd.s32 s4, s6;
	[dreg:$0x0] =	wrdreg $0x0  }
0xa9: {  	s6 =	sshll.u32 s28, $0x1;
	[dreg:$0x2] =	wrdreg s4  }
0xaa: {  	[dreg:$0x3] =	wrdreg s6  }
0xab: {  	[dreg:$0x4] =	wrdreg $0xC0  }
0xac: {  	_ =	task [dreg:s8], $0x5FFFF  }
0xad: {  	[dreg:$0x1] =	wrdreg $0xFFFFFFFF  }
0xae: {  	[dreg:$0x0] =	wrdreg $0x60  }
0xaf: {  	[dreg:$0x2] =	wrdreg s2  }
0xb0: {  	[dreg:$0x3] =	wrdreg s24  }
0xb1: {  	[dreg:$0x4] =	wrdreg s18  }
0xb2: {  	[dreg:$0x5] =	wrdreg $0x9  }
0xb3: {  	_ =	task.clear_ibuf [dreg:s8], $0x6FFFF;
	_ =	strace $0x90000046  }
0xb4: {  	s29 =	simm.s32 $0x9;
	_ =	strace $0x80000048  }
0xb5: {  	_ =	swait.ge [sflag:s29], $0x1  }
0xb6: {  	[sflag:s29] =	ssyncadd.s32 $0xFFFFFFFF  }
0xb7: {  	_ =	strace $0x90000048  }
0xb8: {  	_ =	sfence  }
0xb9: {  	s30 =	sld [smem:$0x0];
	_ =	sdelay $0x2  }
0xba: {  	s31 =	sshll.u32 s1, $0xD;
	s1 =	sshrl.u32 s1, $0x2  }
0xbb: {  	s3 =	sand.u32 $0x4000, s31;
	s1 =	sadd.s32 s1, s30  }
0xbc: {  	s0 =	sor.u32 s3, s0;
	s1 =	sshll.u32 s1, $0x11  }
0xbd: {  	s0 =	sor.u32 s1, s0  }
0xbe: {  	s0 =	sadd.s32 $0x8F2B, s0  }
0xbf: {  	[sflag:s0] =	ssyncadd.remote.s32 $0x1  }
0xc0: {  	_ =	sfence.sel $0xFFFF  }
0xc1: {  	[dreg:$0x0] =	wrdreg $0xFFFFFFFF;
	(pc) =	sbr.abs _section_cstart, $3  }
0xc2: {  	[dreg:$0x1] =	wrdreg $0xFFFFFFFF  }
0xc3: {  	_ =	task.clear_ibuf [dreg:s8], $0x2FFFF;
	_ =	strace $0x9FFFFFFF  }
0xc4: {  	(tm) =	ssettm $0x7FFFFFFF  }
0xc5: {  	_ =	shalt  }
tec
execute0_lowered:
.L_overlay_start_1:
0x0: {  	(tag) =	ssettag $0x1  }
0x1: {  	s1 =	rddreg [dreg:$0x0]  }
0x2: {  	s0 =	srdreg.scid;
	s6 =	rddreg [dreg:$0x1]  }
0x3: {  	s2 =	stileid.u32;
	s3 =	rddreg [dreg:$0x2];
	s5 =	simm.s32 $0x0  }
0x4: {  	s12 =	simm.s32 $0xA0;
	s13 =	simm.s32 $0x6400;
	s14 =	simm.s32 $0xB400  }
0x5: {  	s16 =	simm.s32 $0x10400;
	s18 =	simm.s32 $0x15400;
	s20 =	simm.s32 $0x1A400  }
0x6: {  	s21 =	simm.s32 $0x1;
	s22 =	simm.s32 $0x2;
	s23 =	simm.s32 $0x3  }
0x7: {  	s24 =	simm.s32 $0x4;
	s25 =	simm.s32 $0x5;
	s28 =	simm.s32 $0x7  }
0x8: {  	s29 =	simm.s32 $0x8;
	s0 =	sand.u32 $0x1, s0;
	s2 =	sshll.u32 s2, $0x1  }
0x9: {  	s30 =	simm.s32 $0x9;
	s31 =	simm.s32 $0xA;
	s2 =	sor.u32 s0, s2  }
0xa: {  	[smem:$0x7FF] =	sst s5;
	s0 =	ssub.s32 $0x2, s0;
	s4 =	smul.u32 $0x6400, s2  }
.Ltmp0:
0xb: {  	_ =	strace $0x80000047;
	s26 =	sshrl.u32 s0, $0x1;
	(pc) =	sbr.rel .LBB2_1-.Ltmp0, $4  }
0xc: {  	s0 =	ssub.s32 s0, s26;
	s26 =	simm.s32 $0x6;
	s2 =	sshrl.u32 s4, $0x3  }
0xd: {  	s7 =	sor.u32 $0xA0, s4;
	s0 =	smax.u32 s0, $0x1;
	s2 =	sadd.s32 s2, s6  }
0xe: {  	s8 =	sor.u32 $0x140, s4;
	[dreg:$0x5] =	wrdreg s0;
	s2 =	sadd.s32 $0x400, s2  }
0xf: {  	s9 =	sor.u32 $0x1E0, s4;
	[dreg:$0x4] =	wrdreg s2;
	s2 =	simm.s32 $0x0  }
.LBB2_14:
0x10: {  	_ =	swait.ge [sflag:s26], $0x5000  }
0x11: {  	[sflag:s26] =	ssyncset.done $0x0  }
0x12: {  	[sflag:s26] =	ssyncadd.s32 $0xFFFFB000  }
0x13: {  	_ =	swait.ge [sflag:s28], $0x5000  }
0x14: {  	[sflag:s28] =	ssyncset.done $0x0  }
0x15: {  	[sflag:s28] =	ssyncadd.s32 $0xFFFFB000  }
0x16: {  	_ =	swait.ge [sflag:s29], $0x5000  }
0x17: {  	[sflag:s29] =	ssyncset.done $0x0  }
0x18: {  	[sflag:s29] =	ssyncadd.s32 $0xFFFFB000  }
0x19: {  	_ =	swait.ge [sflag:s30], $0x5000  }
0x1a: {  	[sflag:s30] =	ssyncset.done $0x0  }
0x1b: {  	[sflag:s30] =	ssyncadd.s32 $0xFFFFB000  }
0x1c: {  	_ =	swait.ge [sflag:s31], $0x5000  }
0x1d: {  	s2 =	sadd.s32 $0x1, s2;
	s0 =	rddreg [dreg:$0x5]  }
0x1e: {  	p0 =	sne.s32 s2, s0  }
.Ltmp1:
0x1f: {  	_ = 	snop;
	(pc) =	sbr.rel @!p0 .LBB2_15-.Ltmp1, $3  }
0x20: {  	_ =	sdelay $0x1  }
0x21: {  	[sflag:s31] =	ssyncset.done $0x0  }
0x22: {  	[sflag:s31] =	ssyncadd.s32 $0xFFFFB000  }
.LBB2_1:
0x23: {  	s0 =	rddreg [dreg:$0x4];
	s11 =	simm.s32 $0xB  }
0x24: {  	[tilespmem:s5], [sflag:$0xB] =	stream.linear.gather [hbm4b:s0+s5], $0x6400, $0x38;
	[tilespmem:$0x1F400] =	vst v63  }
0x25: {  	_ =	swait.ge [sflag:s11], $0x6400  }
0x26: {  	[sflag:s11] =	ssyncset.done $0x0  }
0x27: {  	[sflag:s11] =	ssyncadd.s32 $0xFFFF9C00  }
0x28: {  	[tilespmem:s13], [sflag:$0x1] =	stream.indirect.gather [hbm4b:s1+s12], $0x80, s5, s12, $0xb8;
	[tilespmem:$0x1F400] =	vst v63  }
0x29: {  	_ = 	snop  }
0x2a: {  	[tilespmem:s14], [sflag:$0x2] =	stream.indirect.gather [hbm4b:s1+s12], $0x80, s12, s12, $0xb8;
	[tilespmem:$0x1F400] =	vst v63  }
0x2b: {  	s15 =	simm.s32 $0x140  }
0x2c: {  	[tilespmem:s16], [sflag:$0x3] =	stream.indirect.gather [hbm4b:s1+s12], $0x80, s15, s12, $0xb8;
	[tilespmem:$0x1F400] =	vst v63  }
0x2d: {  	s17 =	simm.s32 $0x1E0  }
0x2e: {  	[tilespmem:s18], [sflag:$0x4] =	stream.indirect.gather [hbm4b:s1+s12], $0x80, s17, s12, $0xb8;
	[tilespmem:$0x1F400] =	vst v63  }
0x2f: {  	s19 =	simm.s32 $0x280;
	s0 =	simm.s32 $0x0  }
0x30: {  	[tilespmem:s20], [sflag:$0x5] =	stream.indirect.gather [hbm4b:s1+s12], $0x80, s19, s12, $0xb8;
	[tilespmem:$0x1F400] =	vst v63  }
.LBB2_2:
0x31: {  	_ =	swait.ge [sflag:s21], $0x5000  }
0x32: {  	[sflag:s21] =	ssyncset.done $0x0  }
0x33: {  	s15 =	simm.s32 $0x0;
	[sflag:s21] =	ssyncadd.s32 $0xFFFFB000  }
0x34: {  	v0 =	vld [tilespmem:s15+$0x6400]  }
0x35: {  	v1 =	vld [tilespmem:s15+$0x6410]  }
0x36: {  	v2 =	vld [tilespmem:s15+$0x6420]  }
0x37: {  	v3 =	vld [tilespmem:s15+$0x6430]  }
0x38: {  	v4 =	vld [tilespmem:s15+$0x6440]  }
0x39: {  	v5 =	vld [tilespmem:s15+$0x6450];
	v0 =	vmul.f32 $1.131370830e+01, v0  }
0x3a: {  	v6 =	vld [tilespmem:s15+$0x6460];
	v1 =	vmul.f32 $1.131370830e+01, v1  }
0x3b: {  	v7 =	vld [tilespmem:s15+$0x6470];
	[tilespmem:s15+$0x6400] =	vst v0;
	v0 =	vmul.f32 $1.131370830e+01, v2  }
0x3c: {  	v8 =	vld [tilespmem:s15+$0x6480];
	[tilespmem:s15+$0x6410] =	vst v1;
	v1 =	vmul.f32 $1.131370830e+01, v3  }
0x3d: {  	v9 =	vld [tilespmem:s15+$0x6490];
	[tilespmem:s15+$0x6420] =	vst v0;
	v0 =	vmul.f32 $1.131370830e+01, v4  }
0x3e: {  	v2 =	vmul.f32 $1.131370830e+01, v5;
	[tilespmem:s15+$0x6430] =	vst v1;
	v1 =	vld [tilespmem:s15+$0x64A0]  }
0x3f: {  	v3 =	vmul.f32 $1.131370830e+01, v6;
	[tilespmem:s15+$0x6440] =	vst v0;
	v0 =	vld [tilespmem:s15+$0x64B0]  }
0x40: {  	[tilespmem:s15+$0x6450] =	vst v2;
	v2 =	vld [tilespmem:s15+$0x64C0];
	v4 =	vmul.f32 $1.131370830e+01, v7  }
0x41: {  	v6 =	vmul.f32 $1.131370830e+01, v8;
	[tilespmem:s15+$0x6460] =	vst v3;
	v3 =	vld [tilespmem:s15+$0x64D0]  }
0x42: {  	s6 =	simm.s32 $0x400;
	v5 =	vmul.f32 $1.131370830e+01, v9;
	[tilespmem:s15+$0x6470] =	vst v4;
	v4 =	vld [tilespmem:s15+$0x64E0]  }
.LBB2_3:
0x43: {  	s10 =	sshra.s32 s6, $0x2;
	p0 =	sne.s32 s6, $0x13C00;
	[tilespmem:s15+$0x6480] =	vst v6;
	v1 =	vmul.f32 $1.131370830e+01, v1;
	v6 =	vld [tilespmem:s15+$0x64F0]  }
0x44: {  	v7 =	vld [tilespmem:s10+$0x6400];
	[tilespmem:s15+$0x6490] =	vst v5;
	v0 =	vmul.f32 $1.131370830e+01, v0  }
0x45: {  	v5 =	vld [tilespmem:s10+$0x6410];
	[tilespmem:s15+$0x64A0] =	vst v1;
	v1 =	vmul.f32 $1.131370830e+01, v2  }
0x46: {  	v2 =	vld [tilespmem:s10+$0x6420];
	[tilespmem:s15+$0x64B0] =	vst v0;
	v0 =	vmul.f32 $1.131370830e+01, v3  }
0x47: {  	v3 =	vld [tilespmem:s10+$0x6430];
	[tilespmem:s15+$0x64C0] =	vst v1;
	v1 =	vmul.f32 $1.131370830e+01, v4  }
0x48: {  	v4 =	vld [tilespmem:s10+$0x6440];
	[tilespmem:s15+$0x64D0] =	vst v0;
	v0 =	vmul.f32 $1.131370830e+01, v6  }
0x49: {  	v6 =	vmul.f32 $1.131370830e+01, v7;
	v7 =	vld [tilespmem:s10+$0x6450];
	[tilespmem:s15+$0x64E0] =	vst v1  }
0x4a: {  	v1 =	vmul.f32 $1.131370830e+01, v5;
	v5 =	vld [tilespmem:s10+$0x6460];
	[tilespmem:s15+$0x64F0] =	vst v0;
	s15 =	smov.u32 s10  }
0x4b: {  	[tilespmem:s15+$0x6400] =	vst v6;
	v0 =	vmul.f32 $1.131370830e+01, v2;
	v2 =	vld [tilespmem:s15+$0x6470]  }
0x4c: {  	[tilespmem:s15+$0x6410] =	vst v1;
	v1 =	vmul.f32 $1.131370830e+01, v3;
	v3 =	vld [tilespmem:s15+$0x6480]  }
0x4d: {  	[tilespmem:s15+$0x6420] =	vst v0;
	v0 =	vmul.f32 $1.131370830e+01, v4;
	v4 =	vld [tilespmem:s15+$0x6490]  }
.Ltmp2:
0x4e: {  	[tilespmem:s15+$0x6430] =	vst v1;
	v6 =	vmul.f32 $1.131370830e+01, v7;
	v1 =	vld [tilespmem:s15+$0x64A0];
	(pc) =	sbr.rel @p0 .LBB2_3-.Ltmp2, $4  }
0x4f: {  	[tilespmem:s15+$0x6440] =	vst v0;
	v5 =	vmul.f32 $1.131370830e+01, v5;
	v0 =	vld [tilespmem:s15+$0x64B0]  }
0x50: {  	[tilespmem:s15+$0x6450] =	vst v6;
	v7 =	vmul.f32 $1.131370830e+01, v2;
	v2 =	vld [tilespmem:s15+$0x64C0]  }
0x51: {  	[tilespmem:s15+$0x6460] =	vst v5;
	v6 =	vmul.f32 $1.131370830e+01, v3;
	v3 =	vld [tilespmem:s15+$0x64D0]  }
0x52: {  	s6 =	sadd.s32 $0x400, s6;
	[tilespmem:s15+$0x6470] =	vst v7;
	v5 =	vmul.f32 $1.131370830e+01, v4;
	v4 =	vld [tilespmem:s15+$0x64E0]  }
0x53: {  	[tilespmem:s15+$0x6480] =	vst v6;
	v1 =	vmul.f32 $1.131370830e+01, v1;
	v6 =	vld [tilespmem:s15+$0x64F0]  }
0x54: {  	[tilespmem:s15+$0x6490] =	vst v5;
	v0 =	vmul.f32 $1.131370830e+01, v0  }
0x55: {  	[tilespmem:s15+$0x64A0] =	vst v1;
	v1 =	vmul.f32 $1.131370830e+01, v2  }
0x56: {  	s17 =	smul.u32 $0x320, s0;
	[tilespmem:s15+$0x64B0] =	vst v0;
	v0 =	vmul.f32 $1.131370830e+01, v3  }
0x57: {  	[tilespmem:s15+$0x64C0] =	vst v1;
	v1 =	vmul.f32 $1.131370830e+01, v4  }
0x58: {  	s19 =	smul.u32 $0x5, s0;
	s6 =	sadd.s32 s4, s17;
	[tilespmem:s15+$0x64D0] =	vst v0;
	v0 =	vmul.f32 $1.131370830e+01, v6  }
0x59: {  	p0 =	seq.s32 s0, $0x0;
	s6 =	sshll.u32 s6, $0x4;
	[tilespmem:s15+$0x64E0] =	vst v1  }
0x5a: {  	s10 =	simm.s32 @!p0 $0xA;
	s6 =	sadd.s32 s3, s6;
	[tilespmem:s15+$0x64F0] =	vst v0;
	s15 =	sadd.s32 $0x4, s19  }
0x5b: {  	[hbm4b:s6+s5] =	stream.linear.scatter [tilespmem:s13], [sflag:$0x6], $0x5000, $0x38;
	[tilespmem:$0x1F400] =	vst v63  }
0x5c: {  	s6 =	smul.u32 @!p0 $0x280, s15;
	_ =	swait.ge @!p0 [sflag:s10], $0x5000  }
0x5d: {  	s19 =	simm.s32 @!p0 $0x1A400;
	[sflag:s10] =	ssyncset.done @!p0 $0x0  }
0x5e: {  	s6 =	sshra.s32 @!p0 s6, $0x2;
	[sflag:s10] =	ssyncadd.s32 @!p0 $0xFFFFB000;
	s10 =	simm.s32 @!p0 $0xA0  }
0x5f: {  	[tilespmem:s19], [sflag:$0x5] =	stream.indirect.gather @!p0 [hbm4b:s1+s10], $0x80, s6, s10, $0xb8;
	[tilespmem:$0x1F400] =	vst v63  }
0x60: {  	_ =	swait.ge [sflag:s22], $0x5000  }
0x61: {  	[sflag:s22] =	ssyncset.done $0x0  }
0x62: {  	s19 =	simm.s32 $0x0;
	[sflag:s22] =	ssyncadd.s32 $0xFFFFB000  }
0x63: {  	v0 =	vld [tilespmem:s19+$0xB400]  }
0x64: {  	v1 =	vld [tilespmem:s19+$0xB410]  }
0x65: {  	v2 =	vld [tilespmem:s19+$0xB420]  }
0x66: {  	v3 =	vld [tilespmem:s19+$0xB430]  }
0x67: {  	v4 =	vld [tilespmem:s19+$0xB440]  }
0x68: {  	v5 =	vld [tilespmem:s19+$0xB450];
	v0 =	vmul.f32 $1.131370830e+01, v0  }
0x69: {  	v6 =	vld [tilespmem:s19+$0xB460];
	v1 =	vmul.f32 $1.131370830e+01, v1  }
0x6a: {  	v7 =	vld [tilespmem:s19+$0xB470];
	[tilespmem:s19+$0xB400] =	vst v0;
	v0 =	vmul.f32 $1.131370830e+01, v2  }
0x6b: {  	v8 =	vld [tilespmem:s19+$0xB480];
	[tilespmem:s19+$0xB410] =	vst v1;
	v1 =	vmul.f32 $1.131370830e+01, v3  }
0x6c: {  	v9 =	vld [tilespmem:s19+$0xB490];
	[tilespmem:s19+$0xB420] =	vst v0;
	v0 =	vmul.f32 $1.131370830e+01, v4  }
0x6d: {  	v2 =	vmul.f32 $1.131370830e+01, v5;
	[tilespmem:s19+$0xB430] =	vst v1;
	v1 =	vld [tilespmem:s19+$0xB4A0]  }
0x6e: {  	v3 =	vmul.f32 $1.131370830e+01, v6;
	[tilespmem:s19+$0xB440] =	vst v0;
	v0 =	vld [tilespmem:s19+$0xB4B0]  }
0x6f: {  	[tilespmem:s19+$0xB450] =	vst v2;
	v2 =	vld [tilespmem:s19+$0xB4C0];
	v4 =	vmul.f32 $1.131370830e+01, v7  }
0x70: {  	v6 =	vmul.f32 $1.131370830e+01, v8;
	[tilespmem:s19+$0xB460] =	vst v3;
	v3 =	vld [tilespmem:s19+$0xB4D0]  }
0x71: {  	s6 =	simm.s32 $0x400;
	v5 =	vmul.f32 $1.131370830e+01, v9;
	[tilespmem:s19+$0xB470] =	vst v4;
	v4 =	vld [tilespmem:s19+$0xB4E0]  }
.LBB2_5:
0x72: {  	s10 =	sshra.s32 s6, $0x2;
	p0 =	sne.s32 s6, $0x13C00;
	[tilespmem:s19+$0xB480] =	vst v6;
	v1 =	vmul.f32 $1.131370830e+01, v1;
	v6 =	vld [tilespmem:s19+$0xB4F0]  }
0x73: {  	v7 =	vld [tilespmem:s10+$0xB400];
	[tilespmem:s19+$0xB490] =	vst v5;
	v0 =	vmul.f32 $1.131370830e+01, v0  }
0x74: {  	v5 =	vld [tilespmem:s10+$0xB410];
	[tilespmem:s19+$0xB4A0] =	vst v1;
	v1 =	vmul.f32 $1.131370830e+01, v2  }
0x75: {  	v2 =	vld [tilespmem:s10+$0xB420];
	[tilespmem:s19+$0xB4B0] =	vst v0;
	v0 =	vmul.f32 $1.131370830e+01, v3  }
0x76: {  	v3 =	vld [tilespmem:s10+$0xB430];
	[tilespmem:s19+$0xB4C0] =	vst v1;
	v1 =	vmul.f32 $1.131370830e+01, v4  }
0x77: {  	v4 =	vld [tilespmem:s10+$0xB440];
	[tilespmem:s19+$0xB4D0] =	vst v0;
	v0 =	vmul.f32 $1.131370830e+01, v6  }
0x78: {  	v6 =	vmul.f32 $1.131370830e+01, v7;
	v7 =	vld [tilespmem:s10+$0xB450];
	[tilespmem:s19+$0xB4E0] =	vst v1  }
0x79: {  	v1 =	vmul.f32 $1.131370830e+01, v5;
	v5 =	vld [tilespmem:s10+$0xB460];
	[tilespmem:s19+$0xB4F0] =	vst v0;
	s19 =	smov.u32 s10  }
0x7a: {  	[tilespmem:s19+$0xB400] =	vst v6;
	v0 =	vmul.f32 $1.131370830e+01, v2;
	v2 =	vld [tilespmem:s19+$0xB470]  }
0x7b: {  	[tilespmem:s19+$0xB410] =	vst v1;
	v1 =	vmul.f32 $1.131370830e+01, v3;
	v3 =	vld [tilespmem:s19+$0xB480]  }
0x7c: {  	[tilespmem:s19+$0xB420] =	vst v0;
	v0 =	vmul.f32 $1.131370830e+01, v4;
	v4 =	vld [tilespmem:s19+$0xB490]  }
.Ltmp3:
0x7d: {  	[tilespmem:s19+$0xB430] =	vst v1;
	v6 =	vmul.f32 $1.131370830e+01, v7;
	v1 =	vld [tilespmem:s19+$0xB4A0];
	(pc) =	sbr.rel @p0 .LBB2_5-.Ltmp3, $4  }
0x7e: {  	[tilespmem:s19+$0xB440] =	vst v0;
	v5 =	vmul.f32 $1.131370830e+01, v5;
	v0 =	vld [tilespmem:s19+$0xB4B0]  }
0x7f: {  	[tilespmem:s19+$0xB450] =	vst v6;
	v7 =	vmul.f32 $1.131370830e+01, v2;
	v2 =	vld [tilespmem:s19+$0xB4C0]  }
0x80: {  	[tilespmem:s19+$0xB460] =	vst v5;
	v6 =	vmul.f32 $1.131370830e+01, v3;
	v3 =	vld [tilespmem:s19+$0xB4D0]  }
0x81: {  	s6 =	sadd.s32 $0x400, s6;
	[tilespmem:s19+$0xB470] =	vst v7;
	v5 =	vmul.f32 $1.131370830e+01, v4;
	v4 =	vld [tilespmem:s19+$0xB4E0]  }
0x82: {  	[tilespmem:s19+$0xB480] =	vst v6;
	v1 =	vmul.f32 $1.131370830e+01, v1;
	v6 =	vld [tilespmem:s19+$0xB4F0]  }
0x83: {  	[tilespmem:s19+$0xB490] =	vst v5;
	v0 =	vmul.f32 $1.131370830e+01, v0  }
0x84: {  	[tilespmem:s19+$0xB4A0] =	vst v1;
	v1 =	vmul.f32 $1.131370830e+01, v2  }
0x85: {  	[tilespmem:s19+$0xB4B0] =	vst v0;
	v0 =	vmul.f32 $1.131370830e+01, v3  }
0x86: {  	[tilespmem:s19+$0xB4C0] =	vst v1;
	v1 =	vmul.f32 $1.131370830e+01, v4  }
0x87: {  	s6 =	sadd.s32 s17, s7;
	[tilespmem:s19+$0xB4D0] =	vst v0;
	v0 =	vmul.f32 $1.131370830e+01, v6  }
0x88: {  	s6 =	sshll.u32 s6, $0x4;
	[tilespmem:s19+$0xB4E0] =	vst v1  }
0x89: {  	p0 =	seq.s32 s0, $0x1F;
	s6 =	sadd.s32 s3, s6;
	[tilespmem:s19+$0xB4F0] =	vst v0  }
0x8a: {  	[hbm4b:s6+s5] =	stream.linear.scatter [tilespmem:s14], [sflag:$0x7], $0x5000, $0x38;
	[tilespmem:$0x1F400] =	vst v63  }
0x8b: {  	s10 =	smul.u32 @!p0 $0xC80, s0;
	s6 =	simm.s32 @!p0 $0x6  }
0x8c: {  	_ =	swait.ge @!p0 [sflag:s6], $0x5000  }
0x8d: {  	s11 =	simm.s32 @!p0 $0x6400;
	s19 =	sshra.s32 @!p0 s10, $0x2;
	[sflag:s6] =	ssyncset.done @!p0 $0x0  }
0x8e: {  	s10 =	simm.s32 @!p0 $0xA0;
	[sflag:s6] =	ssyncadd.s32 @!p0 $0xFFFFB000;
	s6 =	sadd.s32 @!p0 $0x320, s19  }
0x8f: {  	[tilespmem:s11], [sflag:$0x1] =	stream.indirect.gather @!p0 [hbm4b:s1+s10], $0x80, s6, s10, $0xb8;
	[tilespmem:$0x1F400] =	vst v63  }
0x90: {  	_ =	swait.ge [sflag:s23], $0x5000  }
0x91: {  	[sflag:s23] =	ssyncset.done $0x0  }
0x92: {  	s6 =	simm.s32 $0x0;
	[sflag:s23] =	ssyncadd.s32 $0xFFFFB000  }
0x93: {  	v0 =	vld [tilespmem:s6+$0x10400]  }
0x94: {  	v1 =	vld [tilespmem:s6+$0x10410]  }
0x95: {  	v2 =	vld [tilespmem:s6+$0x10420]  }
0x96: {  	v3 =	vld [tilespmem:s6+$0x10430]  }
0x97: {  	v4 =	vld [tilespmem:s6+$0x10440]  }
0x98: {  	v5 =	vld [tilespmem:s6+$0x10450];
	v0 =	vmul.f32 $1.131370830e+01, v0  }
0x99: {  	v6 =	vld [tilespmem:s6+$0x10460];
	v1 =	vmul.f32 $1.131370830e+01, v1  }
0x9a: {  	v7 =	vld [tilespmem:s6+$0x10470];
	[tilespmem:s6+$0x10400] =	vst v0;
	v0 =	vmul.f32 $1.131370830e+01, v2  }
0x9b: {  	v8 =	vld [tilespmem:s6+$0x10480];
	[tilespmem:s6+$0x10410] =	vst v1;
	v1 =	vmul.f32 $1.131370830e+01, v3  }
0x9c: {  	v9 =	vld [tilespmem:s6+$0x10490];
	[tilespmem:s6+$0x10420] =	vst v0;
	v0 =	vmul.f32 $1.131370830e+01, v4  }
0x9d: {  	v2 =	vmul.f32 $1.131370830e+01, v5;
	[tilespmem:s6+$0x10430] =	vst v1;
	v1 =	vld [tilespmem:s6+$0x104A0]  }
0x9e: {  	v3 =	vmul.f32 $1.131370830e+01, v6;
	[tilespmem:s6+$0x10440] =	vst v0;
	v0 =	vld [tilespmem:s6+$0x104B0]  }
0x9f: {  	[tilespmem:s6+$0x10450] =	vst v2;
	v2 =	vld [tilespmem:s6+$0x104C0];
	v4 =	vmul.f32 $1.131370830e+01, v7  }
0xa0: {  	v6 =	vmul.f32 $1.131370830e+01, v8;
	[tilespmem:s6+$0x10460] =	vst v3;
	v3 =	vld [tilespmem:s6+$0x104D0]  }
0xa1: {  	s10 =	simm.s32 $0x400;
	v5 =	vmul.f32 $1.131370830e+01, v9;
	[tilespmem:s6+$0x10470] =	vst v4;
	v4 =	vld [tilespmem:s6+$0x104E0]  }
.LBB2_7:
0xa2: {  	s11 =	sshra.s32 s10, $0x2;
	p1 =	sne.s32 s10, $0x13C00;
	[tilespmem:s6+$0x10480] =	vst v6;
	v1 =	vmul.f32 $1.131370830e+01, v1;
	v6 =	vld [tilespmem:s6+$0x104F0]  }
0xa3: {  	v7 =	vld [tilespmem:s11+$0x10400];
	[tilespmem:s6+$0x10490] =	vst v5;
	v0 =	vmul.f32 $1.131370830e+01, v0  }
0xa4: {  	v5 =	vld [tilespmem:s11+$0x10410];
	[tilespmem:s6+$0x104A0] =	vst v1;
	v1 =	vmul.f32 $1.131370830e+01, v2  }
0xa5: {  	v2 =	vld [tilespmem:s11+$0x10420];
	[tilespmem:s6+$0x104B0] =	vst v0;
	v0 =	vmul.f32 $1.131370830e+01, v3  }
0xa6: {  	v3 =	vld [tilespmem:s11+$0x10430];
	[tilespmem:s6+$0x104C0] =	vst v1;
	v1 =	vmul.f32 $1.131370830e+01, v4  }
0xa7: {  	v4 =	vld [tilespmem:s11+$0x10440];
	[tilespmem:s6+$0x104D0] =	vst v0;
	v0 =	vmul.f32 $1.131370830e+01, v6  }
0xa8: {  	v6 =	vmul.f32 $1.131370830e+01, v7;
	v7 =	vld [tilespmem:s11+$0x10450];
	[tilespmem:s6+$0x104E0] =	vst v1  }
0xa9: {  	v1 =	vmul.f32 $1.131370830e+01, v5;
	v5 =	vld [tilespmem:s11+$0x10460];
	[tilespmem:s6+$0x104F0] =	vst v0;
	s6 =	smov.u32 s11  }
0xaa: {  	[tilespmem:s6+$0x10400] =	vst v6;
	v0 =	vmul.f32 $1.131370830e+01, v2;
	v2 =	vld [tilespmem:s6+$0x10470]  }
0xab: {  	[tilespmem:s6+$0x10410] =	vst v1;
	v1 =	vmul.f32 $1.131370830e+01, v3;
	v3 =	vld [tilespmem:s6+$0x10480]  }
0xac: {  	[tilespmem:s6+$0x10420] =	vst v0;
	v0 =	vmul.f32 $1.131370830e+01, v4;
	v4 =	vld [tilespmem:s6+$0x10490]  }
.Ltmp4:
0xad: {  	[tilespmem:s6+$0x10430] =	vst v1;
	v6 =	vmul.f32 $1.131370830e+01, v7;
	v1 =	vld [tilespmem:s6+$0x104A0];
	(pc) =	sbr.rel @p1 .LBB2_7-.Ltmp4, $4  }
0xae: {  	[tilespmem:s6+$0x10440] =	vst v0;
	v5 =	vmul.f32 $1.131370830e+01, v5;
	v0 =	vld [tilespmem:s6+$0x104B0]  }
0xaf: {  	[tilespmem:s6+$0x10450] =	vst v6;
	v7 =	vmul.f32 $1.131370830e+01, v2;
	v2 =	vld [tilespmem:s6+$0x104C0]  }
0xb0: {  	[tilespmem:s6+$0x10460] =	vst v5;
	v6 =	vmul.f32 $1.131370830e+01, v3;
	v3 =	vld [tilespmem:s6+$0x104D0]  }
0xb1: {  	s10 =	sadd.s32 $0x400, s10;
	[tilespmem:s6+$0x10470] =	vst v7;
	v5 =	vmul.f32 $1.131370830e+01, v4;
	v4 =	vld [tilespmem:s6+$0x104E0]  }
0xb2: {  	[tilespmem:s6+$0x10480] =	vst v6;
	v1 =	vmul.f32 $1.131370830e+01, v1;
	v6 =	vld [tilespmem:s6+$0x104F0]  }
0xb3: {  	[tilespmem:s6+$0x10490] =	vst v5;
	v0 =	vmul.f32 $1.131370830e+01, v0  }
0xb4: {  	[tilespmem:s6+$0x104A0] =	vst v1;
	v1 =	vmul.f32 $1.131370830e+01, v2  }
0xb5: {  	[tilespmem:s6+$0x104B0] =	vst v0;
	v0 =	vmul.f32 $1.131370830e+01, v3  }
0xb6: {  	[tilespmem:s6+$0x104C0] =	vst v1;
	v1 =	vmul.f32 $1.131370830e+01, v4  }
0xb7: {  	s10 =	sadd.s32 s17, s8;
	[tilespmem:s6+$0x104D0] =	vst v0;
	v0 =	vmul.f32 $1.131370830e+01, v6  }
0xb8: {  	s10 =	sshll.u32 s10, $0x4;
	[tilespmem:s6+$0x104E0] =	vst v1  }
0xb9: {  	s11 =	sadd.s32 s3, s10;
	[tilespmem:s6+$0x104F0] =	vst v0;
	s6 =	simm.s32 @!p0 $0x7  }
0xba: {  	[hbm4b:s11+s5] =	stream.linear.scatter [tilespmem:s16], [sflag:$0x8], $0x5000, $0x38;
	[tilespmem:$0x1F400] =	vst v63  }
0xbb: {  	_ =	swait.ge @!p0 [sflag:s6], $0x5000  }
0xbc: {  	s10 =	simm.s32 @!p0 $0xA0;
	[sflag:s6] =	ssyncset.done @!p0 $0x0  }
0xbd: {  	s11 =	simm.s32 @!p0 $0xB400;
	[sflag:s6] =	ssyncadd.s32 @!p0 $0xFFFFB000;
	s6 =	sadd.s32 @!p0 $0x3C0, s19  }
0xbe: {  	[tilespmem:s11], [sflag:$0x2] =	stream.indirect.gather @!p0 [hbm4b:s1+s10], $0x80, s6, s10, $0xb8;
	[tilespmem:$0x1F400] =	vst v63  }
0xbf: {  	_ =	swait.ge [sflag:s24], $0x5000  }
0xc0: {  	[sflag:s24] =	ssyncset.done $0x0  }
0xc1: {  	s6 =	simm.s32 $0x0;
	[sflag:s24] =	ssyncadd.s32 $0xFFFFB000  }
0xc2: {  	v0 =	vld [tilespmem:s6+$0x15400]  }
0xc3: {  	v1 =	vld [tilespmem:s6+$0x15410]  }
0xc4: {  	v2 =	vld [tilespmem:s6+$0x15420]  }
0xc5: {  	v3 =	vld [tilespmem:s6+$0x15430]  }
0xc6: {  	v4 =	vld [tilespmem:s6+$0x15440]  }
0xc7: {  	v5 =	vld [tilespmem:s6+$0x15450];
	v0 =	vmul.f32 $1.131370830e+01, v0  }
0xc8: {  	v6 =	vld [tilespmem:s6+$0x15460];
	v1 =	vmul.f32 $1.131370830e+01, v1  }
0xc9: {  	v7 =	vld [tilespmem:s6+$0x15470];
	[tilespmem:s6+$0x15400] =	vst v0;
	v0 =	vmul.f32 $1.131370830e+01, v2  }
0xca: {  	v8 =	vld [tilespmem:s6+$0x15480];
	[tilespmem:s6+$0x15410] =	vst v1;
	v1 =	vmul.f32 $1.131370830e+01, v3  }
0xcb: {  	v9 =	vld [tilespmem:s6+$0x15490];
	[tilespmem:s6+$0x15420] =	vst v0;
	v0 =	vmul.f32 $1.131370830e+01, v4  }
0xcc: {  	v2 =	vmul.f32 $1.131370830e+01, v5;
	[tilespmem:s6+$0x15430] =	vst v1;
	v1 =	vld [tilespmem:s6+$0x154A0]  }
0xcd: {  	v3 =	vmul.f32 $1.131370830e+01, v6;
	[tilespmem:s6+$0x15440] =	vst v0;
	v0 =	vld [tilespmem:s6+$0x154B0]  }
0xce: {  	[tilespmem:s6+$0x15450] =	vst v2;
	v2 =	vld [tilespmem:s6+$0x154C0];
	v4 =	vmul.f32 $1.131370830e+01, v7  }
0xcf: {  	v6 =	vmul.f32 $1.131370830e+01, v8;
	[tilespmem:s6+$0x15460] =	vst v3;
	v3 =	vld [tilespmem:s6+$0x154D0]  }
0xd0: {  	s10 =	simm.s32 $0x400;
	v5 =	vmul.f32 $1.131370830e+01, v9;
	[tilespmem:s6+$0x15470] =	vst v4;
	v4 =	vld [tilespmem:s6+$0x154E0]  }
.LBB2_9:
0xd1: {  	s11 =	sshra.s32 s10, $0x2;
	p1 =	sne.s32 s10, $0x13C00;
	[tilespmem:s6+$0x15480] =	vst v6;
	v1 =	vmul.f32 $1.131370830e+01, v1;
	v6 =	vld [tilespmem:s6+$0x154F0]  }
0xd2: {  	v7 =	vld [tilespmem:s11+$0x15400];
	[tilespmem:s6+$0x15490] =	vst v5;
	v0 =	vmul.f32 $1.131370830e+01, v0  }
0xd3: {  	v5 =	vld [tilespmem:s11+$0x15410];
	[tilespmem:s6+$0x154A0] =	vst v1;
	v1 =	vmul.f32 $1.131370830e+01, v2  }
0xd4: {  	v2 =	vld [tilespmem:s11+$0x15420];
	[tilespmem:s6+$0x154B0] =	vst v0;
	v0 =	vmul.f32 $1.131370830e+01, v3  }
0xd5: {  	v3 =	vld [tilespmem:s11+$0x15430];
	[tilespmem:s6+$0x154C0] =	vst v1;
	v1 =	vmul.f32 $1.131370830e+01, v4  }
0xd6: {  	v4 =	vld [tilespmem:s11+$0x15440];
	[tilespmem:s6+$0x154D0] =	vst v0;
	v0 =	vmul.f32 $1.131370830e+01, v6  }
0xd7: {  	v6 =	vmul.f32 $1.131370830e+01, v7;
	v7 =	vld [tilespmem:s11+$0x15450];
	[tilespmem:s6+$0x154E0] =	vst v1  }
0xd8: {  	v1 =	vmul.f32 $1.131370830e+01, v5;
	v5 =	vld [tilespmem:s11+$0x15460];
	[tilespmem:s6+$0x154F0] =	vst v0;
	s6 =	smov.u32 s11  }
0xd9: {  	[tilespmem:s6+$0x15400] =	vst v6;
	v0 =	vmul.f32 $1.131370830e+01, v2;
	v2 =	vld [tilespmem:s6+$0x15470]  }
0xda: {  	[tilespmem:s6+$0x15410] =	vst v1;
	v1 =	vmul.f32 $1.131370830e+01, v3;
	v3 =	vld [tilespmem:s6+$0x15480]  }
0xdb: {  	[tilespmem:s6+$0x15420] =	vst v0;
	v0 =	vmul.f32 $1.131370830e+01, v4;
	v4 =	vld [tilespmem:s6+$0x15490]  }
.Ltmp5:
0xdc: {  	[tilespmem:s6+$0x15430] =	vst v1;
	v6 =	vmul.f32 $1.131370830e+01, v7;
	v1 =	vld [tilespmem:s6+$0x154A0];
	(pc) =	sbr.rel @p1 .LBB2_9-.Ltmp5, $4  }
0xdd: {  	[tilespmem:s6+$0x15440] =	vst v0;
	v5 =	vmul.f32 $1.131370830e+01, v5;
	v0 =	vld [tilespmem:s6+$0x154B0]  }
0xde: {  	[tilespmem:s6+$0x15450] =	vst v6;
	v7 =	vmul.f32 $1.131370830e+01, v2;
	v2 =	vld [tilespmem:s6+$0x154C0]  }
0xdf: {  	[tilespmem:s6+$0x15460] =	vst v5;
	v6 =	vmul.f32 $1.131370830e+01, v3;
	v3 =	vld [tilespmem:s6+$0x154D0]  }
0xe0: {  	s10 =	sadd.s32 $0x400, s10;
	[tilespmem:s6+$0x15470] =	vst v7;
	v5 =	vmul.f32 $1.131370830e+01, v4;
	v4 =	vld [tilespmem:s6+$0x154E0]  }
0xe1: {  	[tilespmem:s6+$0x15480] =	vst v6;
	v1 =	vmul.f32 $1.131370830e+01, v1;
	v6 =	vld [tilespmem:s6+$0x154F0]  }
0xe2: {  	[tilespmem:s6+$0x15490] =	vst v5;
	v0 =	vmul.f32 $1.131370830e+01, v0  }
0xe3: {  	[tilespmem:s6+$0x154A0] =	vst v1;
	v1 =	vmul.f32 $1.131370830e+01, v2  }
0xe4: {  	[tilespmem:s6+$0x154B0] =	vst v0;
	v0 =	vmul.f32 $1.131370830e+01, v3  }
0xe5: {  	[tilespmem:s6+$0x154C0] =	vst v1;
	v1 =	vmul.f32 $1.131370830e+01, v4  }
0xe6: {  	s10 =	sadd.s32 s17, s9;
	[tilespmem:s6+$0x154D0] =	vst v0;
	v0 =	vmul.f32 $1.131370830e+01, v6  }
0xe7: {  	s10 =	sshll.u32 s10, $0x4;
	[tilespmem:s6+$0x154E0] =	vst v1  }
0xe8: {  	s17 =	sadd.s32 s3, s10;
	[tilespmem:s6+$0x154F0] =	vst v0;
	s6 =	simm.s32 @!p0 $0x8  }
0xe9: {  	[hbm4b:s17+s5] =	stream.linear.scatter [tilespmem:s18], [sflag:$0x9], $0x5000, $0x38;
	[tilespmem:$0x1F400] =	vst v63  }
0xea: {  	_ =	swait.ge @!p0 [sflag:s6], $0x5000  }
0xeb: {  	s11 =	simm.s32 @!p0 $0x10400;
	[sflag:s6] =	ssyncset.done @!p0 $0x0  }
0xec: {  	s10 =	simm.s32 @!p0 $0xA0;
	[sflag:s6] =	ssyncadd.s32 @!p0 $0xFFFFB000;
	s6 =	sadd.s32 @!p0 $0x460, s19  }
0xed: {  	[tilespmem:s11], [sflag:$0x3] =	stream.indirect.gather @!p0 [hbm4b:s1+s10], $0x80, s6, s10, $0xb8;
	[tilespmem:$0x1F400] =	vst v63  }
0xee: {  	_ =	swait.ge [sflag:s25], $0x5000  }
0xef: {  	[sflag:s25] =	ssyncset.done $0x0  }
0xf0: {  	s17 =	simm.s32 $0x0;
	[sflag:s25] =	ssyncadd.s32 $0xFFFFB000  }
0xf1: {  	v0 =	vld [tilespmem:s17+$0x1A400]  }
0xf2: {  	v1 =	vld [tilespmem:s17+$0x1A410]  }
0xf3: {  	v2 =	vld [tilespmem:s17+$0x1A420]  }
0xf4: {  	v3 =	vld [tilespmem:s17+$0x1A430]  }
0xf5: {  	v4 =	vld [tilespmem:s17+$0x1A440]  }
0xf6: {  	v5 =	vld [tilespmem:s17+$0x1A450];
	v0 =	vmul.f32 $1.131370830e+01, v0  }
0xf7: {  	v6 =	vld [tilespmem:s17+$0x1A460];
	v1 =	vmul.f32 $1.131370830e+01, v1  }
0xf8: {  	v7 =	vld [tilespmem:s17+$0x1A470];
	[tilespmem:s17+$0x1A400] =	vst v0;
	v0 =	vmul.f32 $1.131370830e+01, v2  }
0xf9: {  	v8 =	vld [tilespmem:s17+$0x1A480];
	[tilespmem:s17+$0x1A410] =	vst v1;
	v1 =	vmul.f32 $1.131370830e+01, v3  }
0xfa: {  	v9 =	vld [tilespmem:s17+$0x1A490];
	[tilespmem:s17+$0x1A420] =	vst v0;
	v0 =	vmul.f32 $1.131370830e+01, v4  }
0xfb: {  	v2 =	vmul.f32 $1.131370830e+01, v5;
	[tilespmem:s17+$0x1A430] =	vst v1;
	v1 =	vld [tilespmem:s17+$0x1A4A0]  }
0xfc: {  	v3 =	vmul.f32 $1.131370830e+01, v6;
	[tilespmem:s17+$0x1A440] =	vst v0;
	v0 =	vld [tilespmem:s17+$0x1A4B0]  }
0xfd: {  	[tilespmem:s17+$0x1A450] =	vst v2;
	v2 =	vld [tilespmem:s17+$0x1A4C0];
	v4 =	vmul.f32 $1.131370830e+01, v7  }
0xfe: {  	v6 =	vmul.f32 $1.131370830e+01, v8;
	[tilespmem:s17+$0x1A460] =	vst v3;
	v3 =	vld [tilespmem:s17+$0x1A4D0]  }
0xff: {  	s6 =	simm.s32 $0x400;
	v5 =	vmul.f32 $1.131370830e+01, v9;
	[tilespmem:s17+$0x1A470] =	vst v4;
	v4 =	vld [tilespmem:s17+$0x1A4E0]  }
.LBB2_11:
0x100: {  	s10 =	sshra.s32 s6, $0x2;
	p1 =	sne.s32 s6, $0x13C00;
	[tilespmem:s17+$0x1A480] =	vst v6;
	v1 =	vmul.f32 $1.131370830e+01, v1;
	v6 =	vld [tilespmem:s17+$0x1A4F0]  }
0x101: {  	v7 =	vld [tilespmem:s10+$0x1A400];
	[tilespmem:s17+$0x1A490] =	vst v5;
	v0 =	vmul.f32 $1.131370830e+01, v0  }
0x102: {  	v5 =	vld [tilespmem:s10+$0x1A410];
	[tilespmem:s17+$0x1A4A0] =	vst v1;
	v1 =	vmul.f32 $1.131370830e+01, v2  }
0x103: {  	v2 =	vld [tilespmem:s10+$0x1A420];
	[tilespmem:s17+$0x1A4B0] =	vst v0;
	v0 =	vmul.f32 $1.131370830e+01, v3  }
0x104: {  	v3 =	vld [tilespmem:s10+$0x1A430];
	[tilespmem:s17+$0x1A4C0] =	vst v1;
	v1 =	vmul.f32 $1.131370830e+01, v4  }
0x105: {  	v4 =	vld [tilespmem:s10+$0x1A440];
	[tilespmem:s17+$0x1A4D0] =	vst v0;
	v0 =	vmul.f32 $1.131370830e+01, v6  }
0x106: {  	v6 =	vmul.f32 $1.131370830e+01, v7;
	v7 =	vld [tilespmem:s10+$0x1A450];
	[tilespmem:s17+$0x1A4E0] =	vst v1  }
0x107: {  	v1 =	vmul.f32 $1.131370830e+01, v5;
	v5 =	vld [tilespmem:s10+$0x1A460];
	[tilespmem:s17+$0x1A4F0] =	vst v0;
	s17 =	smov.u32 s10  }
0x108: {  	[tilespmem:s17+$0x1A400] =	vst v6;
	v0 =	vmul.f32 $1.131370830e+01, v2;
	v2 =	vld [tilespmem:s17+$0x1A470]  }
0x109: {  	[tilespmem:s17+$0x1A410] =	vst v1;
	v1 =	vmul.f32 $1.131370830e+01, v3;
	v3 =	vld [tilespmem:s17+$0x1A480]  }
0x10a: {  	[tilespmem:s17+$0x1A420] =	vst v0;
	v0 =	vmul.f32 $1.131370830e+01, v4;
	v4 =	vld [tilespmem:s17+$0x1A490]  }
.Ltmp6:
0x10b: {  	[tilespmem:s17+$0x1A430] =	vst v1;
	v6 =	vmul.f32 $1.131370830e+01, v7;
	v1 =	vld [tilespmem:s17+$0x1A4A0];
	(pc) =	sbr.rel @p1 .LBB2_11-.Ltmp6, $4  }
0x10c: {  	[tilespmem:s17+$0x1A440] =	vst v0;
	v5 =	vmul.f32 $1.131370830e+01, v5;
	v0 =	vld [tilespmem:s17+$0x1A4B0]  }
0x10d: {  	[tilespmem:s17+$0x1A450] =	vst v6;
	v7 =	vmul.f32 $1.131370830e+01, v2;
	v2 =	vld [tilespmem:s17+$0x1A4C0]  }
0x10e: {  	[tilespmem:s17+$0x1A460] =	vst v5;
	v6 =	vmul.f32 $1.131370830e+01, v3;
	v3 =	vld [tilespmem:s17+$0x1A4D0]  }
0x10f: {  	s6 =	sadd.s32 $0x400, s6;
	[tilespmem:s17+$0x1A470] =	vst v7;
	v5 =	vmul.f32 $1.131370830e+01, v4;
	v4 =	vld [tilespmem:s17+$0x1A4E0]  }
0x110: {  	[tilespmem:s17+$0x1A480] =	vst v6;
	v1 =	vmul.f32 $1.131370830e+01, v1;
	v59 =	vld [tilespmem:s17+$0x1A4F0]  }
0x111: {  	[tilespmem:s17+$0x1A490] =	vst v5;
	v0 =	vmul.f32 $1.131370830e+01, v0  }
0x112: {  	[tilespmem:s17+$0x1A4A0] =	vst v1;
	v60 =	vmul.f32 $1.131370830e+01, v2  }
0x113: {  	s6 =	smul.u32 $0xA0, s15;
	[tilespmem:s17+$0x1A4B0] =	vst v0;
	v61 =	vmul.f32 $1.131370830e+01, v3  }
.Ltmp7:
0x114: {  	[tilespmem:s17+$0x1A4C0] =	vst v60;
	v62 =	vmul.f32 $1.131370830e+01, v4;
	(pc) =	sbr.rel @p0 .LBB2_14-.Ltmp7, $4  }
0x115: {  	s6 =	sadd.s32 s4, s6;
	[tilespmem:s17+$0x1A4D0] =	vst v61;
	v63 =	vmul.f32 $1.131370830e+01, v59  }
0x116: {  	s6 =	sshll.u32 s6, $0x4;
	[tilespmem:s17+$0x1A4E0] =	vst v62  }
0x117: {  	s6 =	sadd.s32 s3, s6;
	[tilespmem:s17+$0x1A4F0] =	vst v63  }
0x118: {  	[hbm4b:s6+s5] =	stream.linear.scatter [tilespmem:s20], [sflag:$0xA], $0x5000, $0x38;
	[tilespmem:$0x1F400] =	vst v63  }
0x119: {  	s6 =	smul.u32 $0xC80, s0  }
.Ltmp8:
0x11a: {  	_ = 	snop;
	(pc) =	sbr.rel .LBB2_2-.Ltmp8, $4  }
0x11b: {  	_ =	swait.ge [sflag:s30], $0x5000  }
0x11c: {  	[sflag:s30] =	ssyncset.done $0x0;
	s6 =	sshra.s32 s6, $0x2  }
0x11d: {  	s0 =	sadd.s32 $0x1, s0;
	[sflag:s30] =	ssyncadd.s32 $0xFFFFB000;
	s6 =	sadd.s32 $0x500, s6  }
0x11e: {  	[tilespmem:s18], [sflag:$0x4] =	stream.indirect.gather [hbm4b:s1+s12], $0x80, s6, s12, $0xb8;
	[tilespmem:$0x1F400] =	vst v63  }
.LBB2_15:
0x11f: {  	_ =	sfence.sel $0x180000  }
0x120: {  	[bflag:$0x0] =	sbarrier.arrive $0xFFFF  }
0x121: {  	_ =	strace $0x90000047  }
0x122: {  	s0 =	stileid.u32;
	[bflag:$0x2] =	sbarrier.arrive $0xFFFF  }
0x123: {  	p0 =	sne.s32 s0, $0x0;
	s0 =	rddreg [dreg:$0x3]  }
0x124: {  	s0 =	sadd.s32 @!p0 $0x100000, s0  }
0x125: {  	[sflag:s0] =	ssyncadd.tile.s32 @!p0 $0x1;
	_ =	shalt  }
.Lfunc_end2:
_tile_overlayer_lowered:
.L_overlay_start_2:
0x126: {  	(tag) =	ssettag $0x2  }
0x127: {  	s0 =	rddreg [dreg:$0x0];
	s2 =	stileid.u32  }
0x128: {  	s1 =	rddreg [dreg:$0x1];
	p0 =	sne.s32 s2, $0x0  }
0x129: {  	s3 =	rddreg [dreg:$0x2];
	[bflag:$0x3] =	sbarrier.arrive $0xFFFF;
	s2 =	simm.s32 @!p0 $0x1C0B  }
0x12a: {  	[timem:s3], [sflag:s2] =	dma.local @!p0 [hbm:s0], s1  }
0x12b: {  	s0 =	simm.s32 @!p0 $0xB  }
0x12c: {  	_ =	swait.ge @!p0 [sflag:s0], s1  }
0x12d: {  	s1 =	ssub.s32 @!p0 $0x0, s1;
	[sflag:s0] =	ssyncset.done @!p0 $0x0  }
0x12e: {  	[sflag:s0] =	ssyncadd.s32 @!p0 s1  }
0x12f: {  	[bflag:$0x3] =	sbarrier.arrive $0xFFFF  }
0x130: {  	_ =	shalt  }

</sc_bundles>
